<compile_context>
chip_gen: v7x
topology: tpu7x:2x2x1
jax: 0.10.2.dev20260603
libtpu: 0.0.44.dev20260713+nightly
codegen_flags: <defaults>
</compile_context>

<pallas_src>
import functools

import jax
import jax.numpy as jnp
from jax import lax
from jax.experimental import pallas as pl
from jax.experimental.pallas import tpu as pltpu
from jax.experimental.pallas import tpu_sc as plsc

N_EXP_ = 64
TOP_K_ = 8
CAP_FACTOR_ = 1.25


def _topk_body(x_ref, w_ref, idx_ref, probs_ref, *, k, n_exp, bm):
    logits = jax.lax.dot_general(
        w_ref[...], x_ref[...], (((1,), (1,)), ((), ())),
        preferred_element_type=jnp.float32)
    iota_sub = jax.lax.broadcasted_iota(jnp.int32, (n_exp, bm), 0)
    neg_inf = jnp.float32(-jnp.inf)
    l = logits
    vals, idxs = [], []
    for _ in range(k):
        m = jnp.max(l, axis=0, keepdims=True)
        a = jnp.min(jnp.where(l == m, iota_sub, n_exp), axis=0,
                    keepdims=True)
        sel = iota_sub == a
        l = jnp.where(sel, neg_inf, l)
        vals.append(m)
        idxs.append(a)
    v = jnp.concatenate(vals, axis=0)
    p = jnp.exp(v - v[0:1, :])
    p = p / jnp.sum(p, axis=0, keepdims=True)
    idx_ref[...] = jnp.transpose(jnp.concatenate(idxs, axis=0))
    probs_ref[...] = jnp.transpose(p)


def _hist_body(idx_ref, gt_ref, jrow_ref, hist_ref, *, k, n_exp, bm):
    blk = pl.program_id(0)
    idx_bf = idx_ref[...].astype(jnp.bfloat16)
    idxbig = jax.lax.dot_general(
        idx_bf, gt_ref[...], (((1,), (0,)), ((), ())),
        preferred_element_type=jnp.float32)
    oh = (idxbig == jrow_ref[0:1, :]).astype(jnp.int32)
    h = jnp.sum(oh, axis=0, keepdims=True)

    @pl.when(blk == 0)
    def _():
        hist_ref[...] = jnp.zeros_like(hist_ref)

    hist_ref[0:1, :] = hist_ref[0:1, :] + h


def _shift_lanes(s, sh):
    pad = jnp.zeros((s.shape[0], sh), s.dtype)
    return jnp.concatenate([pad, s[:, :-sh]], axis=1)


def _rank_body(hist_ref, idx_ref, probs_ref, l_ref, gt_ref, g_ref, jrow_ref,
               rank_ref, pm_ref, cnt_ref,
               *, k, n_exp, bm, cap):
    blk = pl.program_id(0)
    f = n_exp * k

    @pl.when(blk == 0)
    def _():
        tot = hist_ref[0:1, :].astype(jnp.float32)
        s = tot
        sh = n_exp
        while sh < f:
            s = s + _shift_lanes(s, sh)
            sh *= 2
        cnt_ref[...] = s - tot

    idx = idx_ref[...]
    idx_bf = idx.astype(jnp.bfloat16)
    idxbig = jax.lax.dot_general(
        idx_bf, gt_ref[...], (((1,), (0,)), ((), ())),
        preferred_element_type=jnp.float32)
    jmod = (jax.lax.broadcasted_iota(jnp.int32, (bm, f), 1)
            & (n_exp - 1)).astype(jnp.float32)
    ohf = (idxbig == jmod).astype(jnp.float32)
    posl = jax.lax.dot_general(
        l_ref[...], ohf.astype(jnp.bfloat16), (((1,), (0,)), ((), ())),
        preferred_element_type=jnp.float32)
    t1 = ohf * (posl + cnt_ref[0:1, :])
    rank_f = jax.lax.dot_general(
        t1, g_ref[...], (((1,), (0,)), ((), ())),
        preferred_element_type=jnp.float32,
        precision=jax.lax.Precision.HIGHEST)
    rank = rank_f.astype(jnp.int32) - 1
    ok = rank < cap
    cnt_ref[...] = cnt_ref[...] + posl[bm - 1:bm, :]
    rank_ref[...] = rank
    pm_ref[...] = probs_ref[...] * ok.astype(jnp.float32)


def _mask_body(idx_ref, rank_ref, gt_ref, jrow_ref, mask_ref,
               *, k, n_exp, bm, cap):
    drop = (rank_ref[...] >= cap).astype(jnp.int32)
    comb = (idx_ref[...] + drop * (n_exp + 1)).astype(jnp.bfloat16)
    combbig = jax.lax.dot_general(
        comb, gt_ref[...], (((1,), (0,)), ((), ())),
        preferred_element_type=jnp.float32)
    mask_ref[...] = (combbig == jrow_ref[0:1, :]).astype(jnp.int32)


def _sc_mask(idx_flat, rank_flat, zeros1, otab, *, n, k, n_exp, cap):
    info = plsc.get_sparse_core_info()
    nc, ns = info.num_cores, info.num_subcores
    nw = nc * ns
    chunk = 128
    per_w = n // nw
    n_chunks = per_w // chunk
    cw = chunk * k * n_exp

    mesh = plsc.VectorSubcoreMesh(core_axis_name="c", subcore_axis_name="s")

    @functools.partial(
        pl.kernel, mesh=mesh,
        compiler_params=pltpu.CompilerParams(needs_layout_passes=False),
        out_type=jax.ShapeDtypeStruct((n * k * n_exp,), jnp.int32),
        scratch_types=[
            pltpu.VMEM((cw,), jnp.int32),
            pltpu.VMEM((chunk * k,), jnp.int32),
            pltpu.VMEM((chunk * k,), jnp.int32),
            pltpu.VMEM((chunk * k,), jnp.int32),
        ],
    )
    def kfn(idx_hbm, rank_hbm, z_hbm, o_hbm, out_hbm, buf, idx_v, rank_v, o_v):
        wid = lax.axis_index("s") * nc + lax.axis_index("c")
        pltpu.sync_copy(z_hbm, buf)
        pltpu.sync_copy(o_hbm, o_v)
        for c in range(n_chunks):
            g = wid * n_chunks + c
            pltpu.sync_copy(idx_hbm.at[pl.ds(g * chunk * k, chunk * k)],
                            idx_v)
            pltpu.sync_copy(rank_hbm.at[pl.ds(g * chunk * k, chunk * k)],
                            rank_v)

            @plsc.parallel_loop(0, chunk * k, step=16)
            def _(i):
                sl = pl.ds(i, 16)
                off = o_v[sl] + idx_v[sl]
                val = lax.shift_right_logical(rank_v[sl] - cap, 31)
                plsc.store_scatter(buf, [off], val)

            pltpu.sync_copy(buf, out_hbm.at[pl.ds(g * cw, cw)])

            @plsc.parallel_loop(0, chunk * k, step=16)
            def _(i):
                sl = pl.ds(i, 16)
                off = o_v[sl] + idx_v[sl]
                plsc.store_scatter(buf, [off], jnp.zeros((16,), jnp.int32))

    return kfn(idx_flat, rank_flat, zeros1, otab).reshape(n, k, n_exp)


@functools.partial(jax.jit, static_argnames=())
def kernel(x, w_g):
    b, t, c = x.shape
    n = b * t
    e = w_g.shape[0]
    k = TOP_K_
    f = e * k
    cap = max(int(k * CAP_FACTOR_ * n / e), 4)
    x_flat = x.reshape(n, c)
    bm = 512 if n % 512 == 0 else 128
    nb = n // bm
    bma = 4096 if n % 4096 == 0 else bm
    nba = n // bma

    idx, probs = pl.pallas_call(
        functools.partial(_topk_body, k=k, n_exp=e, bm=bma),
        grid=(nba,),
        in_specs=[
            pl.BlockSpec((bma, c), lambda i: (i, 0)),
            pl.BlockSpec((e, c), lambda i: (0, 0)),
        ],
        out_specs=[
            pl.BlockSpec((bma, k), lambda i: (i, 0)),
            pl.BlockSpec((bma, k), lambda i: (i, 0)),
        ],
        out_shape=[
            jax.ShapeDtypeStruct((n, k), jnp.int32),
            jax.ShapeDtypeStruct((n, k), jnp.float32),
        ],
        compiler_params=pltpu.CompilerParams(
            dimension_semantics=("arbitrary",)),
    )(x_flat, w_g)

    kk = jnp.arange(k, dtype=jnp.int32)
    jj = jnp.arange(f, dtype=jnp.int32)
    gt_bf = (jj[None, :] // e == kk[:, None]).astype(jnp.bfloat16)
    g_f32 = gt_bf.T.astype(jnp.float32)
    ii = jnp.arange(bm, dtype=jnp.int32)
    l_bf = (ii[:, None] >= ii[None, :]).astype(jnp.bfloat16)
    jrow = jnp.broadcast_to((jj % e).astype(jnp.float32)[None, :], (8, f))

    hist = pl.pallas_call(
        functools.partial(_hist_body, k=k, n_exp=e, bm=bm),
        grid=(nb,),
        in_specs=[
            pl.BlockSpec((bm, k), lambda i: (i, 0)),
            pl.BlockSpec((k, f), lambda i: (0, 0)),
            pl.BlockSpec((8, f), lambda i: (0, 0)),
        ],
        out_specs=pl.BlockSpec((8, f), lambda i: (0, 0)),
        out_shape=jax.ShapeDtypeStruct((8, f), jnp.int32),
        compiler_params=pltpu.CompilerParams(
            dimension_semantics=("arbitrary",)),
    )(idx, gt_bf, jrow)

    rank, pm = pl.pallas_call(
        functools.partial(_rank_body, k=k, n_exp=e, bm=bm, cap=cap),
        grid=(nb,),
        in_specs=[
            pl.BlockSpec((8, f), lambda i: (0, 0)),
            pl.BlockSpec((bm, k), lambda i: (i, 0)),
            pl.BlockSpec((bm, k), lambda i: (i, 0)),
            pl.BlockSpec((bm, bm), lambda i: (0, 0)),
            pl.BlockSpec((k, f), lambda i: (0, 0)),
            pl.BlockSpec((f, k), lambda i: (0, 0)),
            pl.BlockSpec((8, f), lambda i: (0, 0)),
        ],
        out_specs=[
            pl.BlockSpec((bm, k), lambda i: (i, 0)),
            pl.BlockSpec((bm, k), lambda i: (i, 0)),
        ],
        out_shape=[
            jax.ShapeDtypeStruct((n, k), jnp.int32),
            jax.ShapeDtypeStruct((n, k), jnp.float32),
        ],
        scratch_shapes=[pltpu.VMEM((1, f), jnp.float32)],
        compiler_params=pltpu.CompilerParams(
            dimension_semantics=("arbitrary",)),
    )(hist, idx, probs, l_bf, gt_bf, g_f32, jrow)

    if n % 4096 == 0:
        zeros1 = jnp.zeros((128 * k * e,), jnp.int32)
        rr = jnp.arange(128 * k, dtype=jnp.int32)
        otab = (rr // k) * (k * e) + (rr % k) * e
        mask = _sc_mask(idx.reshape(-1), rank.reshape(-1), zeros1,
                        otab, n=n, k=k, n_exp=e, cap=cap)
    else:
        bmc = 2048 if n % 2048 == 0 else bm
        nbc = n // bmc
        mask_flat = pl.pallas_call(
            functools.partial(_mask_body, k=k, n_exp=e, bm=bmc, cap=cap),
            grid=(nbc,),
            in_specs=[
                pl.BlockSpec((bmc, k), lambda i: (i, 0)),
                pl.BlockSpec((bmc, k), lambda i: (i, 0)),
                pl.BlockSpec((k, f), lambda i: (0, 0)),
                pl.BlockSpec((8, f), lambda i: (0, 0)),
            ],
            out_specs=pl.BlockSpec((bmc, f), lambda i: (i, 0)),
            out_shape=jax.ShapeDtypeStruct((n, f), jnp.int32),
            compiler_params=pltpu.CompilerParams(
                dimension_semantics=("arbitrary",)),
        )(idx, rank, gt_bf, jrow)
        mask = mask_flat.reshape(n, k, e)

    return (mask, pm, idx, rank, cap)

# --- scband reference (transcript-rebuilt; emitter-appended) ---
"""Pipeline reference for scband-router-12051678232616 (READ-ONLY COPY).

The authoritative reference and input builder live on the scoring server;
editing this copy changes nothing except your own understanding.
"""

import jax, jax.numpy as jnp
import numpy as np

N_EXP = 64
TOP_K = 8
N_EMBD = 768
TRAIN_CAPACITY = 1.25


def setup_inputs(seed: int = 0) -> dict:
    key = jax.random.key(seed)
    k1, k2 = jax.random.split(key)
    x = jax.random.normal(k1, (4, 8192, N_EMBD), dtype=jnp.float32)
    # nn.Linear(n_embd, n_exp, bias=False) weight: [n_exp, n_embd]
    w_g = jax.random.normal(k2, (N_EXP, N_EMBD), dtype=jnp.float32) * (1.0 / np.sqrt(N_EMBD))
    return {"x": x, "w_g": w_g}


def reference(x, w_g):
    B, T, C = x.shape
    num_tokens = B * T
    x_flat = x.reshape(num_tokens, C)
    logits = x_flat @ w_g.T
    # training=True but noisy top-k / aux losses disabled in config
    top_k_logits, top_k_indices = jax.lax.top_k(logits, TOP_K)
    router_probs = jax.nn.softmax(top_k_logits, axis=-1)
    exp_capacity = max(int(TOP_K * TRAIN_CAPACITY * num_tokens / N_EXP), 4)
    expert_mask = jax.nn.one_hot(top_k_indices, N_EXP, dtype=jnp.int32)  # [N, k, E]
    reshaped = jnp.transpose(expert_mask, (1, 0, 2)).reshape(TOP_K * num_tokens, N_EXP)
    cumsum = jnp.cumsum(reshaped, axis=0)
    position = jnp.transpose(cumsum.reshape(TOP_K, num_tokens, N_EXP), (1, 0, 2))
    rank = (position - 1) * expert_mask
    capacity_mask = (rank < exp_capacity).astype(jnp.int32)
    final_mask = expert_mask * capacity_mask
    probs_mask = (jnp.sum(final_mask, axis=-1) > 0)
    router_probs_masked = router_probs * probs_mask.astype(router_probs.dtype)
    final_rank = jnp.sum(rank, axis=-1)
    return (final_mask, router_probs_masked, top_k_indices, final_rank, exp_capacity)

if __name__ == "__main__":
    import jax
    _d = setup_inputs()
    print(jax.jit(kernel)(*tuple(_d.values())))

</pallas_src>

<mosaic_0001>
#map = affine_map<(d0, d1) -> (0)>
module attributes {stable_mosaic.version = 14 : i64} {
  func.func @kfn(%arg0: i32, %arg1: i32, %arg2: memref<262144xi32, #tpu.memory_space<hbm>>, %arg3: memref<262144xi32, #tpu.memory_space<hbm>>, %arg4: memref<65536xi32, #tpu.memory_space<hbm>>, %arg5: memref<1024xi32, #tpu.memory_space<hbm>>, %arg6: memref<16777216xi32, #tpu.memory_space<hbm>>, %arg7: memref<65536xi32, #tpu.memory_space<vmem>>, %arg8: memref<1024xi32, #tpu.memory_space<vmem>>, %arg9: memref<1024xi32, #tpu.memory_space<vmem>>, %arg10: memref<1024xi32, #tpu.memory_space<vmem>>) attributes {dimension_semantics = [#tpu.dimension_semantics<core_parallel>, #tpu.dimension_semantics<subcore_parallel>], iteration_bounds = array<i64: 2, 16>, scalar_prefetch = 0 : i64, scratch_operands = 4 : i64, tpu.core_type = #tpu.core_type<sc_vector_subcore>, window_params = [{transform_indices = #map}, {transform_indices = #map}, {transform_indices = #map}, {transform_indices = #map}, {transform_indices = #map}]} {
    %mul3A = arith.constant 2 : i32
    %mul3A_0 = arith.muli %arg1, %mul3A : i32
    %add3A = arith.addi %mul3A_0, %arg0 : i32
    "tpu.region"() ({
      %run_scoped3A = tpu.sem_alloc : memref<!tpu.dma_semaphore, #tpu.memory_space<semaphore_mem>>
      tpu.enqueue_dma source(%arg4 : memref<65536xi32, #tpu.memory_space<hbm>>) target(%arg7 : memref<65536xi32, #tpu.memory_space<vmem>>) target_semaphore(%run_scoped3A : memref<!tpu.dma_semaphore, #tpu.memory_space<semaphore_mem>>)
      tpu.wait_dma2 semaphore(%run_scoped3A : memref<!tpu.dma_semaphore, #tpu.memory_space<semaphore_mem>>) src(%arg4 : memref<65536xi32, #tpu.memory_space<hbm>>) dst(%arg7 : memref<65536xi32, #tpu.memory_space<vmem>>)
      tpu.yield
    }) : () -> ()
    "tpu.region"() ({
      %run_scoped3A = tpu.sem_alloc : memref<!tpu.dma_semaphore, #tpu.memory_space<semaphore_mem>>
      tpu.enqueue_dma source(%arg5 : memref<1024xi32, #tpu.memory_space<hbm>>) target(%arg10 : memref<1024xi32, #tpu.memory_space<vmem>>) target_semaphore(%run_scoped3A : memref<!tpu.dma_semaphore, #tpu.memory_space<semaphore_mem>>)
      tpu.wait_dma2 semaphore(%run_scoped3A : memref<!tpu.dma_semaphore, #tpu.memory_space<semaphore_mem>>) src(%arg5 : memref<1024xi32, #tpu.memory_space<hbm>>) dst(%arg10 : memref<1024xi32, #tpu.memory_space<vmem>>)
      tpu.yield
    }) : () -> ()
    %mul3A_1 = arith.constant 8 : i32
    %mul3A_2 = arith.muli %add3A, %mul3A_1 : i32
    %add3A_3 = arith.constant 0 : i32
    %add3A_4 = arith.addi %mul3A_2, %add3A_3 : i32
    %mul3A_5 = arith.constant 128 : i32
    %mul3A_6 = arith.muli %add3A_4, %mul3A_5 : i32
    %mul3A_7 = arith.constant 8 : i32
    %mul3A_8 = arith.muli %mul3A_6, %mul3A_7 : i32
    "tpu.region"() ({
      %run_scoped3A = tpu.sem_alloc : memref<!tpu.dma_semaphore, #tpu.memory_space<semaphore_mem>>
      %dma_start3A = tpu.memref_slice %arg2[%mul3A_8] : memref<262144xi32, #tpu.memory_space<hbm>> -> memref<1024xi32, #tpu.memory_space<hbm>>
      %dma_start3A_160 = tpu.memref_slice %arg2[%mul3A_8] : memref<262144xi32, #tpu.memory_space<hbm>> -> memref<1024xi32, #tpu.memory_space<hbm>>
      tpu.enqueue_dma source(%dma_start3A_160 : memref<1024xi32, #tpu.memory_space<hbm>>) target(%arg8 : memref<1024xi32, #tpu.memory_space<vmem>>) target_semaphore(%run_scoped3A : memref<!tpu.dma_semaphore, #tpu.memory_space<semaphore_mem>>)
      %dma_wait3A = tpu.memref_slice %arg2[%mul3A_8] : memref<262144xi32, #tpu.memory_space<hbm>> -> memref<1024xi32, #tpu.memory_space<hbm>>
      %dma_wait3A_161 = tpu.memref_slice %arg2[%mul3A_8] : memref<262144xi32, #tpu.memory_space<hbm>> -> memref<1024xi32, #tpu.memory_space<hbm>>
      tpu.wait_dma2 semaphore(%run_scoped3A : memref<!tpu.dma_semaphore, #tpu.memory_space<semaphore_mem>>) src(%dma_wait3A_161 : memref<1024xi32, #tpu.memory_space<hbm>>) dst(%arg8 : memref<1024xi32, #tpu.memory_space<vmem>>)
      tpu.yield
    }) : () -> ()
    %mul3A_9 = arith.constant 128 : i32
    %mul3A_10 = arith.muli %add3A_4, %mul3A_9 : i32
    %mul3A_11 = arith.constant 8 : i32
    %mul3A_12 = arith.muli %mul3A_10, %mul3A_11 : i32
    "tpu.region"() ({
      %run_scoped3A = tpu.sem_alloc : memref<!tpu.dma_semaphore, #tpu.memory_space<semaphore_mem>>
      %dma_start3A = tpu.memref_slice %arg3[%mul3A_12] : memref<262144xi32, #tpu.memory_space<hbm>> -> memref<1024xi32, #tpu.memory_space<hbm>>
      %dma_start3A_160 = tpu.memref_slice %arg3[%mul3A_12] : memref<262144xi32, #tpu.memory_space<hbm>> -> memref<1024xi32, #tpu.memory_space<hbm>>
      tpu.enqueue_dma source(%dma_start3A_160 : memref<1024xi32, #tpu.memory_space<hbm>>) target(%arg9 : memref<1024xi32, #tpu.memory_space<vmem>>) target_semaphore(%run_scoped3A : memref<!tpu.dma_semaphore, #tpu.memory_space<semaphore_mem>>)
      %dma_wait3A = tpu.memref_slice %arg3[%mul3A_12] : memref<262144xi32, #tpu.memory_space<hbm>> -> memref<1024xi32, #tpu.memory_space<hbm>>
      %dma_wait3A_161 = tpu.memref_slice %arg3[%mul3A_12] : memref<262144xi32, #tpu.memory_space<hbm>> -> memref<1024xi32, #tpu.memory_space<hbm>>
      tpu.wait_dma2 semaphore(%run_scoped3A : memref<!tpu.dma_semaphore, #tpu.memory_space<semaphore_mem>>) src(%dma_wait3A_161 : memref<1024xi32, #tpu.memory_space<hbm>>) dst(%arg9 : memref<1024xi32, #tpu.memory_space<vmem>>)
      tpu.yield
    }) : () -> ()
    %parallel_loop3A = arith.constant 0 : i32
    %parallel_loop3A_13 = arith.constant 1024 : i32
    %parallel_loop3A_14 = arith.constant 16 : i32
    scf.for %parallel_loop3A_160 = %parallel_loop3A to %parallel_loop3A_13 step %parallel_loop3A_14  : i32 {
      %parallel_loop3A_161 = arith.index_cast %parallel_loop3A_160 : i32 to index
      %parallel_loop3A_162 = tpu.vector_load %arg10[%parallel_loop3A_161] {strides = array<i32>} : memref<1024xi32, #tpu.memory_space<vmem>>, vector<16xi32>,
      %parallel_loop3A_163 = arith.index_cast %parallel_loop3A_160 : i32 to index
      %parallel_loop3A_164 = tpu.vector_load %arg8[%parallel_loop3A_163] {strides = array<i32>} : memref<1024xi32, #tpu.memory_space<vmem>>, vector<16xi32>,
      %parallel_loop3A_165 = arith.addi %parallel_loop3A_162, %parallel_loop3A_164 : vector<16xi32>
      %parallel_loop3A_166 = arith.index_cast %parallel_loop3A_160 : i32 to index
      %parallel_loop3A_167 = tpu.vector_load %arg9[%parallel_loop3A_166] {strides = array<i32>} : memref<1024xi32, #tpu.memory_space<vmem>>, vector<16xi32>,
      %parallel_loop3A_168 = arith.constant 5120 : i32
      %parallel_loop3A_169 = vector.broadcast %parallel_loop3A_168 : i32 to vector<16xi32>
      %parallel_loop3A_170 = arith.subi %parallel_loop3A_167, %parallel_loop3A_169 : vector<16xi32>
      %parallel_loop3A_171 = arith.constant 31 : i32
      %parallel_loop3A_172 = vector.broadcast %parallel_loop3A_171 : i32 to vector<16xi32>
      %parallel_loop3A_173 = arith.shrui %parallel_loop3A_170, %parallel_loop3A_172 : vector<16xi32>
      tpu.vector_store_idx %arg7[%parallel_loop3A_165], %parallel_loop3A_173 : memref<65536xi32, #tpu.memory_space<vmem>>[vector<16xi32>], vector<16xi32>,
    } {sc.loop_unroll_factor = 1 : i64, sc.parallel_access}
    %mul3A_15 = arith.constant 65536 : i32
    %mul3A_16 = arith.muli %add3A_4, %mul3A_15 : i32
    "tpu.region"() ({
      %run_scoped3A = tpu.sem_alloc : memref<!tpu.dma_semaphore, #tpu.memory_space<semaphore_mem>>
      %dma_start3A = tpu.memref_slice %arg6[%mul3A_16] : memref<16777216xi32, #tpu.memory_space<hbm>> -> memref<65536xi32, #tpu.memory_space<hbm>>
      %dma_start3A_160 = tpu.memref_slice %arg6[%mul3A_16] : memref<16777216xi32, #tpu.memory_space<hbm>> -> memref<65536xi32, #tpu.memory_space<hbm>>
      tpu.enqueue_dma source(%arg7 : memref<65536xi32, #tpu.memory_space<vmem>>) target(%dma_start3A_160 : memref<65536xi32, #tpu.memory_space<hbm>>) target_semaphore(%run_scoped3A : memref<!tpu.dma_semaphore, #tpu.memory_space<semaphore_mem>>)
      %dma_wait3A = tpu.memref_slice %arg6[%mul3A_16] : memref<16777216xi32, #tpu.memory_space<hbm>> -> memref<65536xi32, #tpu.memory_space<hbm>>
      %dma_wait3A_161 = tpu.memref_slice %arg6[%mul3A_16] : memref<16777216xi32, #tpu.memory_space<hbm>> -> memref<65536xi32, #tpu.memory_space<hbm>>
      tpu.wait_dma2 semaphore(%run_scoped3A : memref<!tpu.dma_semaphore, #tpu.memory_space<semaphore_mem>>) src(%arg7 : memref<65536xi32, #tpu.memory_space<vmem>>) dst(%dma_wait3A_161 : memref<65536xi32, #tpu.memory_space<hbm>>)
      tpu.yield
    }) : () -> ()
    %parallel_loop3A_17 = arith.constant 0 : i32
    %parallel_loop3A_18 = arith.constant 1024 : i32
    %parallel_loop3A_19 = arith.constant 16 : i32
    scf.for %parallel_loop3A_160 = %parallel_loop3A_17 to %parallel_loop3A_18 step %parallel_loop3A_19  : i32 {
      %parallel_loop3A_161 = arith.index_cast %parallel_loop3A_160 : i32 to index
      %parallel_loop3A_162 = tpu.vector_load %arg10[%parallel_loop3A_161] {strides = array<i32>} : memref<1024xi32, #tpu.memory_space<vmem>>, vector<16xi32>,
      %parallel_loop3A_163 = arith.index_cast %parallel_loop3A_160 : i32 to index
      %parallel_loop3A_164 = tpu.vector_load %arg8[%parallel_loop3A_163] {strides = array<i32>} : memref<1024xi32, #tpu.memory_space<vmem>>, vector<16xi32>,
      %parallel_loop3A_165 = arith.addi %parallel_loop3A_162, %parallel_loop3A_164 : vector<16xi32>
      %parallel_loop3A_166 = arith.constant 0 : i32
      %parallel_loop3A_167 = vector.broadcast %parallel_loop3A_166 : i32 to vector<16xi32>
      tpu.vector_store_idx %arg7[%parallel_loop3A_165], %parallel_loop3A_167 : memref<65536xi32, #tpu.memory_space<vmem>>[vector<16xi32>], vector<16xi32>,
    } {sc.loop_unroll_factor = 1 : i64, sc.parallel_access}
    %mul3A_20 = arith.constant 8 : i32
    %mul3A_21 = arith.muli %add3A, %mul3A_20 : i32
    %add3A_22 = arith.constant 1 : i32
    %add3A_23 = arith.addi %mul3A_21, %add3A_22 : i32
    %mul3A_24 = arith.constant 128 : i32
    %mul3A_25 = arith.muli %add3A_23, %mul3A_24 : i32
    %mul3A_26 = arith.constant 8 : i32
    %mul3A_27 = arith.muli %mul3A_25, %mul3A_26 : i32
    "tpu.region"() ({
      %run_scoped3A = tpu.sem_alloc : memref<!tpu.dma_semaphore, #tpu.memory_space<semaphore_mem>>
      %dma_start3A = tpu.memref_slice %arg2[%mul3A_27] : memref<262144xi32, #tpu.memory_space<hbm>> -> memref<1024xi32, #tpu.memory_space<hbm>>
      %dma_start3A_160 = tpu.memref_slice %arg2[%mul3A_27] : memref<262144xi32, #tpu.memory_space<hbm>> -> memref<1024xi32, #tpu.memory_space<hbm>>
      tpu.enqueue_dma source(%dma_start3A_160 : memref<1024xi32, #tpu.memory_space<hbm>>) target(%arg8 : memref<1024xi32, #tpu.memory_space<vmem>>) target_semaphore(%run_scoped3A : memref<!tpu.dma_semaphore, #tpu.memory_space<semaphore_mem>>)
      %dma_wait3A = tpu.memref_slice %arg2[%mul3A_27] : memref<262144xi32, #tpu.memory_space<hbm>> -> memref<1024xi32, #tpu.memory_space<hbm>>
      %dma_wait3A_161 = tpu.memref_slice %arg2[%mul3A_27] : memref<262144xi32, #tpu.memory_space<hbm>> -> memref<1024xi32, #tpu.memory_space<hbm>>
      tpu.wait_dma2 semaphore(%run_scoped3A : memref<!tpu.dma_semaphore, #tpu.memory_space<semaphore_mem>>) src(%dma_wait3A_161 : memref<1024xi32, #tpu.memory_space<hbm>>) dst(%arg8 : memref<1024xi32, #tpu.memory_space<vmem>>)
      tpu.yield
    }) : () -> ()
    %mul3A_28 = arith.constant 128 : i32
    %mul3A_29 = arith.muli %add3A_23, %mul3A_28 : i32
    %mul3A_30 = arith.constant 8 : i32
    %mul3A_31 = arith.muli %mul3A_29, %mul3A_30 : i32
    "tpu.region"() ({
      %run_scoped3A = tpu.sem_alloc : memref<!tpu.dma_semaphore, #tpu.memory_space<semaphore_mem>>
      %dma_start3A = tpu.memref_slice %arg3[%mul3A_31] : memref<262144xi32, #tpu.memory_space<hbm>> -> memref<1024xi32, #tpu.memory_space<hbm>>
      %dma_start3A_160 = tpu.memref_slice %arg3[%mul3A_31] : memref<262144xi32, #tpu.memory_space<hbm>> -> memref<1024xi32, #tpu.memory_space<hbm>>
      tpu.enqueue_dma source(%dma_start3A_160 : memref<1024xi32, #tpu.memory_space<hbm>>) target(%arg9 : memref<1024xi32, #tpu.memory_space<vmem>>) target_semaphore(%run_scoped3A : memref<!tpu.dma_semaphore, #tpu.memory_space<semaphore_mem>>)
      %dma_wait3A = tpu.memref_slice %arg3[%mul3A_31] : memref<262144xi32, #tpu.memory_space<hbm>> -> memref<1024xi32, #tpu.memory_space<hbm>>
      %dma_wait3A_161 = tpu.memref_slice %arg3[%mul3A_31] : memref<262144xi32, #tpu.memory_space<hbm>> -> memref<1024xi32, #tpu.memory_space<hbm>>
      tpu.wait_dma2 semaphore(%run_scoped3A : memref<!tpu.dma_semaphore, #tpu.memory_space<semaphore_mem>>) src(%dma_wait3A_161 : memref<1024xi32, #tpu.memory_space<hbm>>) dst(%arg9 : memref<1024xi32, #tpu.memory_space<vmem>>)
      tpu.yield
    }) : () -> ()
    %parallel_loop3A_32 = arith.constant 0 : i32
    %parallel_loop3A_33 = arith.constant 1024 : i32
    %parallel_loop3A_34 = arith.constant 16 : i32
    scf.for %parallel_loop3A_160 = %parallel_loop3A_32 to %parallel_loop3A_33 step %parallel_loop3A_34  : i32 {
      %parallel_loop3A_161 = arith.index_cast %parallel_loop3A_160 : i32 to index
      %parallel_loop3A_162 = tpu.vector_load %arg10[%parallel_loop3A_161] {strides = array<i32>} : memref<1024xi32, #tpu.memory_space<vmem>>, vector<16xi32>,
      %parallel_loop3A_163 = arith.index_cast %parallel_loop3A_160 : i32 to index
      %parallel_loop3A_164 = tpu.vector_load %arg8[%parallel_loop3A_163] {strides = array<i32>} : memref<1024xi32, #tpu.memory_space<vmem>>, vector<16xi32>,
      %parallel_loop3A_165 = arith.addi %parallel_loop3A_162, %parallel_loop3A_164 : vector<16xi32>
      %parallel_loop3A_166 = arith.index_cast %parallel_loop3A_160 : i32 to index
      %parallel_loop3A_167 = tpu.vector_load %arg9[%parallel_loop3A_166] {strides = array<i32>} : memref<1024xi32, #tpu.memory_space<vmem>>, vector<16xi32>,
      %parallel_loop3A_168 = arith.constant 5120 : i32
      %parallel_loop3A_169 = vector.broadcast %parallel_loop3A_168 : i32 to vector<16xi32>
      %parallel_loop3A_170 = arith.subi %parallel_loop3A_167, %parallel_loop3A_169 : vector<16xi32>
      %parallel_loop3A_171 = arith.constant 31 : i32
      %parallel_loop3A_172 = vector.broadcast %parallel_loop3A_171 : i32 to vector<16xi32>
      %parallel_loop3A_173 = arith.shrui %parallel_loop3A_170, %parallel_loop3A_172 : vector<16xi32>
      tpu.vector_store_idx %arg7[%parallel_loop3A_165], %parallel_loop3A_173 : memref<65536xi32, #tpu.memory_space<vmem>>[vector<16xi32>], vector<16xi32>,
    } {sc.loop_unroll_factor = 1 : i64, sc.parallel_access}
    %mul3A_35 = arith.constant 65536 : i32
    %mul3A_36 = arith.muli %add3A_23, %mul3A_35 : i32
    "tpu.region"() ({
      %run_scoped3A = tpu.sem_alloc : memref<!tpu.dma_semaphore, #tpu.memory_space<semaphore_mem>>
      %dma_start3A = tpu.memref_slice %arg6[%mul3A_36] : memref<16777216xi32, #tpu.memory_space<hbm>> -> memref<65536xi32, #tpu.memory_space<hbm>>
      %dma_start3A_160 = tpu.memref_slice %arg6[%mul3A_36] : memref<16777216xi32, #tpu.memory_space<hbm>> -> memref<65536xi32, #tpu.memory_space<hbm>>
      tpu.enqueue_dma source(%arg7 : memref<65536xi32, #tpu.memory_space<vmem>>) target(%dma_start3A_160 : memref<65536xi32, #tpu.memory_space<hbm>>) target_semaphore(%run_scoped3A : memref<!tpu.dma_semaphore, #tpu.memory_space<semaphore_mem>>)
      %dma_wait3A = tpu.memref_slice %arg6[%mul3A_36] : memref<16777216xi32, #tpu.memory_space<hbm>> -> memref<65536xi32, #tpu.memory_space<hbm>>
      %dma_wait3A_161 = tpu.memref_slice %arg6[%mul3A_36] : memref<16777216xi32, #tpu.memory_space<hbm>> -> memref<65536xi32, #tpu.memory_space<hbm>>
      tpu.wait_dma2 semaphore(%run_scoped3A : memref<!tpu.dma_semaphore, #tpu.memory_space<semaphore_mem>>) src(%arg7 : memref<65536xi32, #tpu.memory_space<vmem>>) dst(%dma_wait3A_161 : memref<65536xi32, #tpu.memory_space<hbm>>)
      tpu.yield
    }) : () -> ()
    %parallel_loop3A_37 = arith.constant 0 : i32
    %parallel_loop3A_38 = arith.constant 1024 : i32
    %parallel_loop3A_39 = arith.constant 16 : i32
    scf.for %parallel_loop3A_160 = %parallel_loop3A_37 to %parallel_loop3A_38 step %parallel_loop3A_39  : i32 {
      %parallel_loop3A_161 = arith.index_cast %parallel_loop3A_160 : i32 to index
      %parallel_loop3A_162 = tpu.vector_load %arg10[%parallel_loop3A_161] {strides = array<i32>} : memref<1024xi32, #tpu.memory_space<vmem>>, vector<16xi32>,
      %parallel_loop3A_163 = arith.index_cast %parallel_loop3A_160 : i32 to index
      %parallel_loop3A_164 = tpu.vector_load %arg8[%parallel_loop3A_163] {strides = array<i32>} : memref<1024xi32, #tpu.memory_space<vmem>>, vector<16xi32>,
      %parallel_loop3A_165 = arith.addi %parallel_loop3A_162, %parallel_loop3A_164 : vector<16xi32>
      %parallel_loop3A_166 = arith.constant 0 : i32
      %parallel_loop3A_167 = vector.broadcast %parallel_loop3A_166 : i32 to vector<16xi32>
      tpu.vector_store_idx %arg7[%parallel_loop3A_165], %parallel_loop3A_167 : memref<65536xi32, #tpu.memory_space<vmem>>[vector<16xi32>], vector<16xi32>,
    } {sc.loop_unroll_factor = 1 : i64, sc.parallel_access}
    %mul3A_40 = arith.constant 8 : i32
    %mul3A_41 = arith.muli %add3A, %mul3A_40 : i32
    %add3A_42 = arith.constant 2 : i32
    %add3A_43 = arith.addi %mul3A_41, %add3A_42 : i32
    %mul3A_44 = arith.constant 128 : i32
    %mul3A_45 = arith.muli %add3A_43, %mul3A_44 : i32
    %mul3A_46 = arith.constant 8 : i32
    %mul3A_47 = arith.muli %mul3A_45, %mul3A_46 : i32
    "tpu.region"() ({
      %run_scoped3A = tpu.sem_alloc : memref<!tpu.dma_semaphore, #tpu.memory_space<semaphore_mem>>
      %dma_start3A = tpu.memref_slice %arg2[%mul3A_47] : memref<262144xi32, #tpu.memory_space<hbm>> -> memref<1024xi32, #tpu.memory_space<hbm>>
      %dma_start3A_160 = tpu.memref_slice %arg2[%mul3A_47] : memref<262144xi32, #tpu.memory_space<hbm>> -> memref<1024xi32, #tpu.memory_space<hbm>>
      tpu.enqueue_dma source(%dma_start3A_160 : memref<1024xi32, #tpu.memory_space<hbm>>) target(%arg8 : memref<1024xi32, #tpu.memory_space<vmem>>) target_semaphore(%run_scoped3A : memref<!tpu.dma_semaphore, #tpu.memory_space<semaphore_mem>>)
      %dma_wait3A = tpu.memref_slice %arg2[%mul3A_47] : memref<262144xi32, #tpu.memory_space<hbm>> -> memref<1024xi32, #tpu.memory_space<hbm>>
      %dma_wait3A_161 = tpu.memref_slice %arg2[%mul3A_47] : memref<262144xi32, #tpu.memory_space<hbm>> -> memref<1024xi32, #tpu.memory_space<hbm>>
      tpu.wait_dma2 semaphore(%run_scoped3A : memref<!tpu.dma_semaphore, #tpu.memory_space<semaphore_mem>>) src(%dma_wait3A_161 : memref<1024xi32, #tpu.memory_space<hbm>>) dst(%arg8 : memref<1024xi32, #tpu.memory_space<vmem>>)
      tpu.yield
    }) : () -> ()
    %mul3A_48 = arith.constant 128 : i32
    %mul3A_49 = arith.muli %add3A_43, %mul3A_48 : i32
    %mul3A_50 = arith.constant 8 : i32
    %mul3A_51 = arith.muli %mul3A_49, %mul3A_50 : i32
    "tpu.region"() ({
      %run_scoped3A = tpu.sem_alloc : memref<!tpu.dma_semaphore, #tpu.memory_space<semaphore_mem>>
      %dma_start3A = tpu.memref_slice %arg3[%mul3A_51] : memref<262144xi32, #tpu.memory_space<hbm>> -> memref<1024xi32, #tpu.memory_space<hbm>>
      %dma_start3A_160 = tpu.memref_slice %arg3[%mul3A_51] : memref<262144xi32, #tpu.memory_space<hbm>> -> memref<1024xi32, #tpu.memory_space<hbm>>
      tpu.enqueue_dma source(%dma_start3A_160 : memref<1024xi32, #tpu.memory_space<hbm>>) target(%arg9 : memref<1024xi32, #tpu.memory_space<vmem>>) target_semaphore(%run_scoped3A : memref<!tpu.dma_semaphore, #tpu.memory_space<semaphore_mem>>)
      %dma_wait3A = tpu.memref_slice %arg3[%mul3A_51] : memref<262144xi32, #tpu.memory_space<hbm>> -> memref<1024xi32, #tpu.memory_space<hbm>>
      %dma_wait3A_161 = tpu.memref_slice %arg3[%mul3A_51] : memref<262144xi32, #tpu.memory_space<hbm>> -> memref<1024xi32, #tpu.memory_space<hbm>>
      tpu.wait_dma2 semaphore(%run_scoped3A : memref<!tpu.dma_semaphore, #tpu.memory_space<semaphore_mem>>) src(%dma_wait3A_161 : memref<1024xi32, #tpu.memory_space<hbm>>) dst(%arg9 : memref<1024xi32, #tpu.memory_space<vmem>>)
      tpu.yield
    }) : () -> ()
    %parallel_loop3A_52 = arith.constant 0 : i32
    %parallel_loop3A_53 = arith.constant 1024 : i32
    %parallel_loop3A_54 = arith.constant 16 : i32
    scf.for %parallel_loop3A_160 = %parallel_loop3A_52 to %parallel_loop3A_53 step %parallel_loop3A_54  : i32 {
      %parallel_loop3A_161 = arith.index_cast %parallel_loop3A_160 : i32 to index
      %parallel_loop3A_162 = tpu.vector_load %arg10[%parallel_loop3A_161] {strides = array<i32>} : memref<1024xi32, #tpu.memory_space<vmem>>, vector<16xi32>,
      %parallel_loop3A_163 = arith.index_cast %parallel_loop3A_160 : i32 to index
      %parallel_loop3A_164 = tpu.vector_load %arg8[%parallel_loop3A_163] {strides = array<i32>} : memref<1024xi32, #tpu.memory_space<vmem>>, vector<16xi32>,
      %parallel_loop3A_165 = arith.addi %parallel_loop3A_162, %parallel_loop3A_164 : vector<16xi32>
      %parallel_loop3A_166 = arith.index_cast %parallel_loop3A_160 : i32 to index
      %parallel_loop3A_167 = tpu.vector_load %arg9[%parallel_loop3A_166] {strides = array<i32>} : memref<1024xi32, #tpu.memory_space<vmem>>, vector<16xi32>,
      %parallel_loop3A_168 = arith.constant 5120 : i32
      %parallel_loop3A_169 = vector.broadcast %parallel_loop3A_168 : i32 to vector<16xi32>
      %parallel_loop3A_170 = arith.subi %parallel_loop3A_167, %parallel_loop3A_169 : vector<16xi32>
      %parallel_loop3A_171 = arith.constant 31 : i32
      %parallel_loop3A_172 = vector.broadcast %parallel_loop3A_171 : i32 to vector<16xi32>
      %parallel_loop3A_173 = arith.shrui %parallel_loop3A_170, %parallel_loop3A_172 : vector<16xi32>
      tpu.vector_store_idx %arg7[%parallel_loop3A_165], %parallel_loop3A_173 : memref<65536xi32, #tpu.memory_space<vmem>>[vector<16xi32>], vector<16xi32>,
    } {sc.loop_unroll_factor = 1 : i64, sc.parallel_access}
    %mul3A_55 = arith.constant 65536 : i32
    %mul3A_56 = arith.muli %add3A_43, %mul3A_55 : i32
    "tpu.region"() ({
      %run_scoped3A = tpu.sem_alloc : memref<!tpu.dma_semaphore, #tpu.memory_space<semaphore_mem>>
      %dma_start3A = tpu.memref_slice %arg6[%mul3A_56] : memref<16777216xi32, #tpu.memory_space<hbm>> -> memref<65536xi32, #tpu.memory_space<hbm>>
      %dma_start3A_160 = tpu.memref_slice %arg6[%mul3A_56] : memref<16777216xi32, #tpu.memory_space<hbm>> -> memref<65536xi32, #tpu.memory_space<hbm>>
      tpu.enqueue_dma source(%arg7 : memref<65536xi32, #tpu.memory_space<vmem>>) target(%dma_start3A_160 : memref<65536xi32, #tpu.memory_space<hbm>>) target_semaphore(%run_scoped3A : memref<!tpu.dma_semaphore, #tpu.memory_space<semaphore_mem>>)
      %dma_wait3A = tpu.memref_slice %arg6[%mul3A_56] : memref<16777216xi32, #tpu.memory_space<hbm>> -> memref<65536xi32, #tpu.memory_space<hbm>>
      %dma_wait3A_161 = tpu.memref_slice %arg6[%mul3A_56] : memref<16777216xi32, #tpu.memory_space<hbm>> -> memref<65536xi32, #tpu.memory_space<hbm>>
      tpu.wait_dma2 semaphore(%run_scoped3A : memref<!tpu.dma_semaphore, #tpu.memory_space<semaphore_mem>>) src(%arg7 : memref<65536xi32, #tpu.memory_space<vmem>>) dst(%dma_wait3A_161 : memref<65536xi32, #tpu.memory_space<hbm>>)
      tpu.yield
    }) : () -> ()
    %parallel_loop3A_57 = arith.constant 0 : i32
    %parallel_loop3A_58 = arith.constant 1024 : i32
    %parallel_loop3A_59 = arith.constant 16 : i32
    scf.for %parallel_loop3A_160 = %parallel_loop3A_57 to %parallel_loop3A_58 step %parallel_loop3A_59  : i32 {
      %parallel_loop3A_161 = arith.index_cast %parallel_loop3A_160 : i32 to index
      %parallel_loop3A_162 = tpu.vector_load %arg10[%parallel_loop3A_161] {strides = array<i32>} : memref<1024xi32, #tpu.memory_space<vmem>>, vector<16xi32>,
      %parallel_loop3A_163 = arith.index_cast %parallel_loop3A_160 : i32 to index
      %parallel_loop3A_164 = tpu.vector_load %arg8[%parallel_loop3A_163] {strides = array<i32>} : memref<1024xi32, #tpu.memory_space<vmem>>, vector<16xi32>,
      %parallel_loop3A_165 = arith.addi %parallel_loop3A_162, %parallel_loop3A_164 : vector<16xi32>
      %parallel_loop3A_166 = arith.constant 0 : i32
      %parallel_loop3A_167 = vector.broadcast %parallel_loop3A_166 : i32 to vector<16xi32>
      tpu.vector_store_idx %arg7[%parallel_loop3A_165], %parallel_loop3A_167 : memref<65536xi32, #tpu.memory_space<vmem>>[vector<16xi32>], vector<16xi32>,
    } {sc.loop_unroll_factor = 1 : i64, sc.parallel_access}
    %mul3A_60 = arith.constant 8 : i32
    %mul3A_61 = arith.muli %add3A, %mul3A_60 : i32
    %add3A_62 = arith.constant 3 : i32
    %add3A_63 = arith.addi %mul3A_61, %add3A_62 : i32
    %mul3A_64 = arith.constant 128 : i32
    %mul3A_65 = arith.muli %add3A_63, %mul3A_64 : i32
    %mul3A_66 = arith.constant 8 : i32
    %mul3A_67 = arith.muli %mul3A_65, %mul3A_66 : i32
    "tpu.region"() ({
      %run_scoped3A = tpu.sem_alloc : memref<!tpu.dma_semaphore, #tpu.memory_space<semaphore_mem>>
      %dma_start3A = tpu.memref_slice %arg2[%mul3A_67] : memref<262144xi32, #tpu.memory_space<hbm>> -> memref<1024xi32, #tpu.memory_space<hbm>>
      %dma_start3A_160 = tpu.memref_slice %arg2[%mul3A_67] : memref<262144xi32, #tpu.memory_space<hbm>> -> memref<1024xi32, #tpu.memory_space<hbm>>
      tpu.enqueue_dma source(%dma_start3A_160 : memref<1024xi32, #tpu.memory_space<hbm>>) target(%arg8 : memref<1024xi32, #tpu.memory_space<vmem>>) target_semaphore(%run_scoped3A : memref<!tpu.dma_semaphore, #tpu.memory_space<semaphore_mem>>)
      %dma_wait3A = tpu.memref_slice %arg2[%mul3A_67] : memref<262144xi32, #tpu.memory_space<hbm>> -> memref<1024xi32, #tpu.memory_space<hbm>>
      %dma_wait3A_161 = tpu.memref_slice %arg2[%mul3A_67] : memref<262144xi32, #tpu.memory_space<hbm>> -> memref<1024xi32, #tpu.memory_space<hbm>>
      tpu.wait_dma2 semaphore(%run_scoped3A : memref<!tpu.dma_semaphore, #tpu.memory_space<semaphore_mem>>) src(%dma_wait3A_161 : memref<1024xi32, #tpu.memory_space<hbm>>) dst(%arg8 : memref<1024xi32, #tpu.memory_space<vmem>>)
      tpu.yield
    }) : () -> ()
    %mul3A_68 = arith.constant 128 : i32
    %mul3A_69 = arith.muli %add3A_63, %mul3A_68 : i32
    %mul3A_70 = arith.constant 8 : i32
    %mul3A_71 = arith.muli %mul3A_69, %mul3A_70 : i32
    "tpu.region"() ({
      %run_scoped3A = tpu.sem_alloc : memref<!tpu.dma_semaphore, #tpu.memory_space<semaphore_mem>>
      %dma_start3A = tpu.memref_slice %arg3[%mul3A_71] : memref<262144xi32, #tpu.memory_space<hbm>> -> memref<1024xi32, #tpu.memory_space<hbm>>
      %dma_start3A_160 = tpu.memref_slice %arg3[%mul3A_71] : memref<262144xi32, #tpu.memory_space<hbm>> -> memref<1024xi32, #tpu.memory_space<hbm>>
      tpu.enqueue_dma source(%dma_start3A_160 : memref<1024xi32, #tpu.memory_space<hbm>>) target(%arg9 : memref<1024xi32, #tpu.memory_space<vmem>>) target_semaphore(%run_scoped3A : memref<!tpu.dma_semaphore, #tpu.memory_space<semaphore_mem>>)
      %dma_wait3A = tpu.memref_slice %arg3[%mul3A_71] : memref<262144xi32, #tpu.memory_space<hbm>> -> memref<1024xi32, #tpu.memory_space<hbm>>
      %dma_wait3A_161 = tpu.memref_slice %arg3[%mul3A_71] : memref<262144xi32, #tpu.memory_space<hbm>> -> memref<1024xi32, #tpu.memory_space<hbm>>
      tpu.wait_dma2 semaphore(%run_scoped3A : memref<!tpu.dma_semaphore, #tpu.memory_space<semaphore_mem>>) src(%dma_wait3A_161 : memref<1024xi32, #tpu.memory_space<hbm>>) dst(%arg9 : memref<1024xi32, #tpu.memory_space<vmem>>)
      tpu.yield
    }) : () -> ()
    %parallel_loop3A_72 = arith.constant 0 : i32
    %parallel_loop3A_73 = arith.constant 1024 : i32
    %parallel_loop3A_74 = arith.constant 16 : i32
    scf.for %parallel_loop3A_160 = %parallel_loop3A_72 to %parallel_loop3A_73 step %parallel_loop3A_74  : i32 {
      %parallel_loop3A_161 = arith.index_cast %parallel_loop3A_160 : i32 to index
      %parallel_loop3A_162 = tpu.vector_load %arg10[%parallel_loop3A_161] {strides = array<i32>} : memref<1024xi32, #tpu.memory_space<vmem>>, vector<16xi32>,
      %parallel_loop3A_163 = arith.index_cast %parallel_loop3A_160 : i32 to index
      %parallel_loop3A_164 = tpu.vector_load %arg8[%parallel_loop3A_163] {strides = array<i32>} : memref<1024xi32, #tpu.memory_space<vmem>>, vector<16xi32>,
      %parallel_loop3A_165 = arith.addi %parallel_loop3A_162, %parallel_loop3A_164 : vector<16xi32>
      %parallel_loop3A_166 = arith.index_cast %parallel_loop3A_160 : i32 to index
      %parallel_loop3A_167 = tpu.vector_load %arg9[%parallel_loop3A_166] {strides = array<i32>} : memref<1024xi32, #tpu.memory_space<vmem>>, vector<16xi32>,
      %parallel_loop3A_168 = arith.constant 5120 : i32
      %parallel_loop3A_169 = vector.broadcast %parallel_loop3A_168 : i32 to vector<16xi32>
      %parallel_loop3A_170 = arith.subi %parallel_loop3A_167, %parallel_loop3A_169 : vector<16xi32>
      %parallel_loop3A_171 = arith.constant 31 : i32
      %parallel_loop3A_172 = vector.broadcast %parallel_loop3A_171 : i32 to vector<16xi32>
      %parallel_loop3A_173 = arith.shrui %parallel_loop3A_170, %parallel_loop3A_172 : vector<16xi32>
      tpu.vector_store_idx %arg7[%parallel_loop3A_165], %parallel_loop3A_173 : memref<65536xi32, #tpu.memory_space<vmem>>[vector<16xi32>], vector<16xi32>,
    } {sc.loop_unroll_factor = 1 : i64, sc.parallel_access}
    %mul3A_75 = arith.constant 65536 : i32
    %mul3A_76 = arith.muli %add3A_63, %mul3A_75 : i32
    "tpu.region"() ({
      %run_scoped3A = tpu.sem_alloc : memref<!tpu.dma_semaphore, #tpu.memory_space<semaphore_mem>>
      %dma_start3A = tpu.memref_slice %arg6[%mul3A_76] : memref<16777216xi32, #tpu.memory_space<hbm>> -> memref<65536xi32, #tpu.memory_space<hbm>>
      %dma_start3A_160 = tpu.memref_slice %arg6[%mul3A_76] : memref<16777216xi32, #tpu.memory_space<hbm>> -> memref<65536xi32, #tpu.memory_space<hbm>>
      tpu.enqueue_dma source(%arg7 : memref<65536xi32, #tpu.memory_space<vmem>>) target(%dma_start3A_160 : memref<65536xi32, #tpu.memory_space<hbm>>) target_semaphore(%run_scoped3A : memref<!tpu.dma_semaphore, #tpu.memory_space<semaphore_mem>>)
      %dma_wait3A = tpu.memref_slice %arg6[%mul3A_76] : memref<16777216xi32, #tpu.memory_space<hbm>> -> memref<65536xi32, #tpu.memory_space<hbm>>
      %dma_wait3A_161 = tpu.memref_slice %arg6[%mul3A_76] : memref<16777216xi32, #tpu.memory_space<hbm>> -> memref<65536xi32, #tpu.memory_space<hbm>>
      tpu.wait_dma2 semaphore(%run_scoped3A : memref<!tpu.dma_semaphore, #tpu.memory_space<semaphore_mem>>) src(%arg7 : memref<65536xi32, #tpu.memory_space<vmem>>) dst(%dma_wait3A_161 : memref<65536xi32, #tpu.memory_space<hbm>>)
      tpu.yield
    }) : () -> ()
    %parallel_loop3A_77 = arith.constant 0 : i32
    %parallel_loop3A_78 = arith.constant 1024 : i32
    %parallel_loop3A_79 = arith.constant 16 : i32
    scf.for %parallel_loop3A_160 = %parallel_loop3A_77 to %parallel_loop3A_78 step %parallel_loop3A_79  : i32 {
      %parallel_loop3A_161 = arith.index_cast %parallel_loop3A_160 : i32 to index
      %parallel_loop3A_162 = tpu.vector_load %arg10[%parallel_loop3A_161] {strides = array<i32>} : memref<1024xi32, #tpu.memory_space<vmem>>, vector<16xi32>,
      %parallel_loop3A_163 = arith.index_cast %parallel_loop3A_160 : i32 to index
      %parallel_loop3A_164 = tpu.vector_load %arg8[%parallel_loop3A_163] {strides = array<i32>} : memref<1024xi32, #tpu.memory_space<vmem>>, vector<16xi32>,
      %parallel_loop3A_165 = arith.addi %parallel_loop3A_162, %parallel_loop3A_164 : vector<16xi32>
      %parallel_loop3A_166 = arith.constant 0 : i32
      %parallel_loop3A_167 = vector.broadcast %parallel_loop3A_166 : i32 to vector<16xi32>
      tpu.vector_store_idx %arg7[%parallel_loop3A_165], %parallel_loop3A_167 : memref<65536xi32, #tpu.memory_space<vmem>>[vector<16xi32>], vector<16xi32>,
    } {sc.loop_unroll_factor = 1 : i64, sc.parallel_access}
    %mul3A_80 = arith.constant 8 : i32
    %mul3A_81 = arith.muli %add3A, %mul3A_80 : i32
    %add3A_82 = arith.constant 4 : i32
    %add3A_83 = arith.addi %mul3A_81, %add3A_82 : i32
    %mul3A_84 = arith.constant 128 : i32
    %mul3A_85 = arith.muli %add3A_83, %mul3A_84 : i32
    %mul3A_86 = arith.constant 8 : i32
    %mul3A_87 = arith.muli %mul3A_85, %mul3A_86 : i32
    "tpu.region"() ({
      %run_scoped3A = tpu.sem_alloc : memref<!tpu.dma_semaphore, #tpu.memory_space<semaphore_mem>>
      %dma_start3A = tpu.memref_slice %arg2[%mul3A_87] : memref<262144xi32, #tpu.memory_space<hbm>> -> memref<1024xi32, #tpu.memory_space<hbm>>
      %dma_start3A_160 = tpu.memref_slice %arg2[%mul3A_87] : memref<262144xi32, #tpu.memory_space<hbm>> -> memref<1024xi32, #tpu.memory_space<hbm>>
      tpu.enqueue_dma source(%dma_start3A_160 : memref<1024xi32, #tpu.memory_space<hbm>>) target(%arg8 : memref<1024xi32, #tpu.memory_space<vmem>>) target_semaphore(%run_scoped3A : memref<!tpu.dma_semaphore, #tpu.memory_space<semaphore_mem>>)
      %dma_wait3A = tpu.memref_slice %arg2[%mul3A_87] : memref<262144xi32, #tpu.memory_space<hbm>> -> memref<1024xi32, #tpu.memory_space<hbm>>
      %dma_wait3A_161 = tpu.memref_slice %arg2[%mul3A_87] : memref<262144xi32, #tpu.memory_space<hbm>> -> memref<1024xi32, #tpu.memory_space<hbm>>
      tpu.wait_dma2 semaphore(%run_scoped3A : memref<!tpu.dma_semaphore, #tpu.memory_space<semaphore_mem>>) src(%dma_wait3A_161 : memref<1024xi32, #tpu.memory_space<hbm>>) dst(%arg8 : memref<1024xi32, #tpu.memory_space<vmem>>)
      tpu.yield
    }) : () -> ()
    %mul3A_88 = arith.constant 128 : i32
    %mul3A_89 = arith.muli %add3A_83, %mul3A_88 : i32
    %mul3A_90 = arith.constant 8 : i32
    %mul3A_91 = arith.muli %mul3A_89, %mul3A_90 : i32
    "tpu.region"() ({
      %run_scoped3A = tpu.sem_alloc : memref<!tpu.dma_semaphore, #tpu.memory_space<semaphore_mem>>
      %dma_start3A = tpu.memref_slice %arg3[%mul3A_91] : memref<262144xi32, #tpu.memory_space<hbm>> -> memref<1024xi32, #tpu.memory_space<hbm>>
      %dma_start3A_160 = tpu.memref_slice %arg3[%mul3A_91] : memref<262144xi32, #tpu.memory_space<hbm>> -> memref<1024xi32, #tpu.memory_space<hbm>>
      tpu.enqueue_dma source(%dma_start3A_160 : memref<1024xi32, #tpu.memory_space<hbm>>) target(%arg9 : memref<1024xi32, #tpu.memory_space<vmem>>) target_semaphore(%run_scoped3A : memref<!tpu.dma_semaphore, #tpu.memory_space<semaphore_mem>>)
      %dma_wait3A = tpu.memref_slice %arg3[%mul3A_91] : memref<262144xi32, #tpu.memory_space<hbm>> -> memref<1024xi32, #tpu.memory_space<hbm>>
      %dma_wait3A_161 = tpu.memref_slice %arg3[%mul3A_91] : memref<262144xi32, #tpu.memory_space<hbm>> -> memref<1024xi32, #tpu.memory_space<hbm>>
      tpu.wait_dma2 semaphore(%run_scoped3A : memref<!tpu.dma_semaphore, #tpu.memory_space<semaphore_mem>>) src(%dma_wait3A_161 : memref<1024xi32, #tpu.memory_space<hbm>>) dst(%arg9 : memref<1024xi32, #tpu.memory_space<vmem>>)
      tpu.yield
    }) : () -> ()
    %parallel_loop3A_92 = arith.constant 0 : i32
    %parallel_loop3A_93 = arith.constant 1024 : i32
    %parallel_loop3A_94 = arith.constant 16 : i32
    scf.for %parallel_loop3A_160 = %parallel_loop3A_92 to %parallel_loop3A_93 step %parallel_loop3A_94  : i32 {
      %parallel_loop3A_161 = arith.index_cast %parallel_loop3A_160 : i32 to index
      %parallel_loop3A_162 = tpu.vector_load %arg10[%parallel_loop3A_161] {strides = array<i32>} : memref<1024xi32, #tpu.memory_space<vmem>>, vector<16xi32>,
      %parallel_loop3A_163 = arith.index_cast %parallel_loop3A_160 : i32 to index
      %parallel_loop3A_164 = tpu.vector_load %arg8[%parallel_loop3A_163] {strides = array<i32>} : memref<1024xi32, #tpu.memory_space<vmem>>, vector<16xi32>,
      %parallel_loop3A_165 = arith.addi %parallel_loop3A_162, %parallel_loop3A_164 : vector<16xi32>
      %parallel_loop3A_166 = arith.index_cast %parallel_loop3A_160 : i32 to index
      %parallel_loop3A_167 = tpu.vector_load %arg9[%parallel_loop3A_166] {strides = array<i32>} : memref<1024xi32, #tpu.memory_space<vmem>>, vector<16xi32>,
      %parallel_loop3A_168 = arith.constant 5120 : i32
      %parallel_loop3A_169 = vector.broadcast %parallel_loop3A_168 : i32 to vector<16xi32>
      %parallel_loop3A_170 = arith.subi %parallel_loop3A_167, %parallel_loop3A_169 : vector<16xi32>
      %parallel_loop3A_171 = arith.constant 31 : i32
      %parallel_loop3A_172 = vector.broadcast %parallel_loop3A_171 : i32 to vector<16xi32>
      %parallel_loop3A_173 = arith.shrui %parallel_loop3A_170, %parallel_loop3A_172 : vector<16xi32>
      tpu.vector_store_idx %arg7[%parallel_loop3A_165], %parallel_loop3A_173 : memref<65536xi32, #tpu.memory_space<vmem>>[vector<16xi32>], vector<16xi32>,
    } {sc.loop_unroll_factor = 1 : i64, sc.parallel_access}
    %mul3A_95 = arith.constant 65536 : i32
    %mul3A_96 = arith.muli %add3A_83, %mul3A_95 : i32
    "tpu.region"() ({
      %run_scoped3A = tpu.sem_alloc : memref<!tpu.dma_semaphore, #tpu.memory_space<semaphore_mem>>
      %dma_start3A = tpu.memref_slice %arg6[%mul3A_96] : memref<16777216xi32, #tpu.memory_space<hbm>> -> memref<65536xi32, #tpu.memory_space<hbm>>
      %dma_start3A_160 = tpu.memref_slice %arg6[%mul3A_96] : memref<16777216xi32, #tpu.memory_space<hbm>> -> memref<65536xi32, #tpu.memory_space<hbm>>
      tpu.enqueue_dma source(%arg7 : memref<65536xi32, #tpu.memory_space<vmem>>) target(%dma_start3A_160 : memref<65536xi32, #tpu.memory_space<hbm>>) target_semaphore(%run_scoped3A : memref<!tpu.dma_semaphore, #tpu.memory_space<semaphore_mem>>)
      %dma_wait3A = tpu.memref_slice %arg6[%mul3A_96] : memref<16777216xi32, #tpu.memory_space<hbm>> -> memref<65536xi32, #tpu.memory_space<hbm>>
      %dma_wait3A_161 = tpu.memref_slice %arg6[%mul3A_96] : memref<16777216xi32, #tpu.memory_space<hbm>> -> memref<65536xi32, #tpu.memory_space<hbm>>
      tpu.wait_dma2 semaphore(%run_scoped3A : memref<!tpu.dma_semaphore, #tpu.memory_space<semaphore_mem>>) src(%arg7 : memref<65536xi32, #tpu.memory_space<vmem>>) dst(%dma_wait3A_161 : memref<65536xi32, #tpu.memory_space<hbm>>)
      tpu.yield
    }) : () -> ()
    %parallel_loop3A_97 = arith.constant 0 : i32
    %parallel_loop3A_98 = arith.constant 1024 : i32
    %parallel_loop3A_99 = arith.constant 16 : i32
    scf.for %parallel_loop3A_160 = %parallel_loop3A_97 to %parallel_loop3A_98 step %parallel_loop3A_99  : i32 {
      %parallel_loop3A_161 = arith.index_cast %parallel_loop3A_160 : i32 to index
      %parallel_loop3A_162 = tpu.vector_load %arg10[%parallel_loop3A_161] {strides = array<i32>} : memref<1024xi32, #tpu.memory_space<vmem>>, vector<16xi32>,
      %parallel_loop3A_163 = arith.index_cast %parallel_loop3A_160 : i32 to index
      %parallel_loop3A_164 = tpu.vector_load %arg8[%parallel_loop3A_163] {strides = array<i32>} : memref<1024xi32, #tpu.memory_space<vmem>>, vector<16xi32>,
      %parallel_loop3A_165 = arith.addi %parallel_loop3A_162, %parallel_loop3A_164 : vector<16xi32>
      %parallel_loop3A_166 = arith.constant 0 : i32
      %parallel_loop3A_167 = vector.broadcast %parallel_loop3A_166 : i32 to vector<16xi32>
      tpu.vector_store_idx %arg7[%parallel_loop3A_165], %parallel_loop3A_167 : memref<65536xi32, #tpu.memory_space<vmem>>[vector<16xi32>], vector<16xi32>,
    } {sc.loop_unroll_factor = 1 : i64, sc.parallel_access}
    %mul3A_100 = arith.constant 8 : i32
    %mul3A_101 = arith.muli %add3A, %mul3A_100 : i32
    %add3A_102 = arith.constant 5 : i32
    %add3A_103 = arith.addi %mul3A_101, %add3A_102 : i32
    %mul3A_104 = arith.constant 128 : i32
    %mul3A_105 = arith.muli %add3A_103, %mul3A_104 : i32
    %mul3A_106 = arith.constant 8 : i32
    %mul3A_107 = arith.muli %mul3A_105, %mul3A_106 : i32
    "tpu.region"() ({
      %run_scoped3A = tpu.sem_alloc : memref<!tpu.dma_semaphore, #tpu.memory_space<semaphore_mem>>
      %dma_start3A = tpu.memref_slice %arg2[%mul3A_107] : memref<262144xi32, #tpu.memory_space<hbm>> -> memref<1024xi32, #tpu.memory_space<hbm>>
      %dma_start3A_160 = tpu.memref_slice %arg2[%mul3A_107] : memref<262144xi32, #tpu.memory_space<hbm>> -> memref<1024xi32, #tpu.memory_space<hbm>>
      tpu.enqueue_dma source(%dma_start3A_160 : memref<1024xi32, #tpu.memory_space<hbm>>) target(%arg8 : memref<1024xi32, #tpu.memory_space<vmem>>) target_semaphore(%run_scoped3A : memref<!tpu.dma_semaphore, #tpu.memory_space<semaphore_mem>>)
      %dma_wait3A = tpu.memref_slice %arg2[%mul3A_107] : memref<262144xi32, #tpu.memory_space<hbm>> -> memref<1024xi32, #tpu.memory_space<hbm>>
      %dma_wait3A_161 = tpu.memref_slice %arg2[%mul3A_107] : memref<262144xi32, #tpu.memory_space<hbm>> -> memref<1024xi32, #tpu.memory_space<hbm>>
      tpu.wait_dma2 semaphore(%run_scoped3A : memref<!tpu.dma_semaphore, #tpu.memory_space<semaphore_mem>>) src(%dma_wait3A_161 : memref<1024xi32, #tpu.memory_space<hbm>>) dst(%arg8 : memref<1024xi32, #tpu.memory_space<vmem>>)
      tpu.yield
    }) : () -> ()
    %mul3A_108 = arith.constant 128 : i32
    %mul3A_109 = arith.muli %add3A_103, %mul3A_108 : i32
    %mul3A_110 = arith.constant 8 : i32
    %mul3A_111 = arith.muli %mul3A_109, %mul3A_110 : i32
    "tpu.region"() ({
      %run_scoped3A = tpu.sem_alloc : memref<!tpu.dma_semaphore, #tpu.memory_space<semaphore_mem>>
      %dma_start3A = tpu.memref_slice %arg3[%mul3A_111] : memref<262144xi32, #tpu.memory_space<hbm>> -> memref<1024xi32, #tpu.memory_space<hbm>>
      %dma_start3A_160 = tpu.memref_slice %arg3[%mul3A_111] : memref<262144xi32, #tpu.memory_space<hbm>> -> memref<1024xi32, #tpu.memory_space<hbm>>
      tpu.enqueue_dma source(%dma_start3A_160 : memref<1024xi32, #tpu.memory_space<hbm>>) target(%arg9 : memref<1024xi32, #tpu.memory_space<vmem>>) target_semaphore(%run_scoped3A : memref<!tpu.dma_semaphore, #tpu.memory_space<semaphore_mem>>)
      %dma_wait3A = tpu.memref_slice %arg3[%mul3A_111] : memref<262144xi32, #tpu.memory_space<hbm>> -> memref<1024xi32, #tpu.memory_space<hbm>>
      %dma_wait3A_161 = tpu.memref_slice %arg3[%mul3A_111] : memref<262144xi32, #tpu.memory_space<hbm>> -> memref<1024xi32, #tpu.memory_space<hbm>>
      tpu.wait_dma2 semaphore(%run_scoped3A : memref<!tpu.dma_semaphore, #tpu.memory_space<semaphore_mem>>) src(%dma_wait3A_161 : memref<1024xi32, #tpu.memory_space<hbm>>) dst(%arg9 : memref<1024xi32, #tpu.memory_space<vmem>>)
      tpu.yield
    }) : () -> ()
    %parallel_loop3A_112 = arith.constant 0 : i32
    %parallel_loop3A_113 = arith.constant 1024 : i32
    %parallel_loop3A_114 = arith.constant 16 : i32
    scf.for %parallel_loop3A_160 = %parallel_loop3A_112 to %parallel_loop3A_113 step %parallel_loop3A_114  : i32 {
      %parallel_loop3A_161 = arith.index_cast %parallel_loop3A_160 : i32 to index
      %parallel_loop3A_162 = tpu.vector_load %arg10[%parallel_loop3A_161] {strides = array<i32>} : memref<1024xi32, #tpu.memory_space<vmem>>, vector<16xi32>,
      %parallel_loop3A_163 = arith.index_cast %parallel_loop3A_160 : i32 to index
      %parallel_loop3A_164 = tpu.vector_load %arg8[%parallel_loop3A_163] {strides = array<i32>} : memref<1024xi32, #tpu.memory_space<vmem>>, vector<16xi32>,
      %parallel_loop3A_165 = arith.addi %parallel_loop3A_162, %parallel_loop3A_164 : vector<16xi32>
      %parallel_loop3A_166 = arith.index_cast %parallel_loop3A_160 : i32 to index
      %parallel_loop3A_167 = tpu.vector_load %arg9[%parallel_loop3A_166] {strides = array<i32>} : memref<1024xi32, #tpu.memory_space<vmem>>, vector<16xi32>,
      %parallel_loop3A_168 = arith.constant 5120 : i32
      %parallel_loop3A_169 = vector.broadcast %parallel_loop3A_168 : i32 to vector<16xi32>
      %parallel_loop3A_170 = arith.subi %parallel_loop3A_167, %parallel_loop3A_169 : vector<16xi32>
      %parallel_loop3A_171 = arith.constant 31 : i32
      %parallel_loop3A_172 = vector.broadcast %parallel_loop3A_171 : i32 to vector<16xi32>
      %parallel_loop3A_173 = arith.shrui %parallel_loop3A_170, %parallel_loop3A_172 : vector<16xi32>
      tpu.vector_store_idx %arg7[%parallel_loop3A_165], %parallel_loop3A_173 : memref<65536xi32, #tpu.memory_space<vmem>>[vector<16xi32>], vector<16xi32>,
    } {sc.loop_unroll_factor = 1 : i64, sc.parallel_access}
    %mul3A_115 = arith.constant 65536 : i32
    %mul3A_116 = arith.muli %add3A_103, %mul3A_115 : i32
    "tpu.region"() ({
      %run_scoped3A = tpu.sem_alloc : memref<!tpu.dma_semaphore, #tpu.memory_space<semaphore_mem>>
      %dma_start3A = tpu.memref_slice %arg6[%mul3A_116] : memref<16777216xi32, #tpu.memory_space<hbm>> -> memref<65536xi32, #tpu.memory_space<hbm>>
      %dma_start3A_160 = tpu.memref_slice %arg6[%mul3A_116] : memref<16777216xi32, #tpu.memory_space<hbm>> -> memref<65536xi32, #tpu.memory_space<hbm>>
      tpu.enqueue_dma source(%arg7 : memref<65536xi32, #tpu.memory_space<vmem>>) target(%dma_start3A_160 : memref<65536xi32, #tpu.memory_space<hbm>>) target_semaphore(%run_scoped3A : memref<!tpu.dma_semaphore, #tpu.memory_space<semaphore_mem>>)
      %dma_wait3A = tpu.memref_slice %arg6[%mul3A_116] : memref<16777216xi32, #tpu.memory_space<hbm>> -> memref<65536xi32, #tpu.memory_space<hbm>>
      %dma_wait3A_161 = tpu.memref_slice %arg6[%mul3A_116] : memref<16777216xi32, #tpu.memory_space<hbm>> -> memref<65536xi32, #tpu.memory_space<hbm>>
      tpu.wait_dma2 semaphore(%run_scoped3A : memref<!tpu.dma_semaphore, #tpu.memory_space<semaphore_mem>>) src(%arg7 : memref<65536xi32, #tpu.memory_space<vmem>>) dst(%dma_wait3A_161 : memref<65536xi32, #tpu.memory_space<hbm>>)
      tpu.yield
    }) : () -> ()
    %parallel_loop3A_117 = arith.constant 0 : i32
    %parallel_loop3A_118 = arith.constant 1024 : i32
    %parallel_loop3A_119 = arith.constant 16 : i32
    scf.for %parallel_loop3A_160 = %parallel_loop3A_117 to %parallel_loop3A_118 step %parallel_loop3A_119  : i32 {
      %parallel_loop3A_161 = arith.index_cast %parallel_loop3A_160 : i32 to index
      %parallel_loop3A_162 = tpu.vector_load %arg10[%parallel_loop3A_161] {strides = array<i32>} : memref<1024xi32, #tpu.memory_space<vmem>>, vector<16xi32>,
      %parallel_loop3A_163 = arith.index_cast %parallel_loop3A_160 : i32 to index
      %parallel_loop3A_164 = tpu.vector_load %arg8[%parallel_loop3A_163] {strides = array<i32>} : memref<1024xi32, #tpu.memory_space<vmem>>, vector<16xi32>,
      %parallel_loop3A_165 = arith.addi %parallel_loop3A_162, %parallel_loop3A_164 : vector<16xi32>
      %parallel_loop3A_166 = arith.constant 0 : i32
      %parallel_loop3A_167 = vector.broadcast %parallel_loop3A_166 : i32 to vector<16xi32>
      tpu.vector_store_idx %arg7[%parallel_loop3A_165], %parallel_loop3A_167 : memref<65536xi32, #tpu.memory_space<vmem>>[vector<16xi32>], vector<16xi32>,
    } {sc.loop_unroll_factor = 1 : i64, sc.parallel_access}
    %mul3A_120 = arith.constant 8 : i32
    %mul3A_121 = arith.muli %add3A, %mul3A_120 : i32
    %add3A_122 = arith.constant 6 : i32
    %add3A_123 = arith.addi %mul3A_121, %add3A_122 : i32
    %mul3A_124 = arith.constant 128 : i32
    %mul3A_125 = arith.muli %add3A_123, %mul3A_124 : i32
    %mul3A_126 = arith.constant 8 : i32
    %mul3A_127 = arith.muli %mul3A_125, %mul3A_126 : i32
    "tpu.region"() ({
      %run_scoped3A = tpu.sem_alloc : memref<!tpu.dma_semaphore, #tpu.memory_space<semaphore_mem>>
      %dma_start3A = tpu.memref_slice %arg2[%mul3A_127] : memref<262144xi32, #tpu.memory_space<hbm>> -> memref<1024xi32, #tpu.memory_space<hbm>>
      %dma_start3A_160 = tpu.memref_slice %arg2[%mul3A_127] : memref<262144xi32, #tpu.memory_space<hbm>> -> memref<1024xi32, #tpu.memory_space<hbm>>
      tpu.enqueue_dma source(%dma_start3A_160 : memref<1024xi32, #tpu.memory_space<hbm>>) target(%arg8 : memref<1024xi32, #tpu.memory_space<vmem>>) target_semaphore(%run_scoped3A : memref<!tpu.dma_semaphore, #tpu.memory_space<semaphore_mem>>)
      %dma_wait3A = tpu.memref_slice %arg2[%mul3A_127] : memref<262144xi32, #tpu.memory_space<hbm>> -> memref<1024xi32, #tpu.memory_space<hbm>>
      %dma_wait3A_161 = tpu.memref_slice %arg2[%mul3A_127] : memref<262144xi32, #tpu.memory_space<hbm>> -> memref<1024xi32, #tpu.memory_space<hbm>>
      tpu.wait_dma2 semaphore(%run_scoped3A : memref<!tpu.dma_semaphore, #tpu.memory_space<semaphore_mem>>) src(%dma_wait3A_161 : memref<1024xi32, #tpu.memory_space<hbm>>) dst(%arg8 : memref<1024xi32, #tpu.memory_space<vmem>>)
      tpu.yield
    }) : () -> ()
    %mul3A_128 = arith.constant 128 : i32
    %mul3A_129 = arith.muli %add3A_123, %mul3A_128 : i32
    %mul3A_130 = arith.constant 8 : i32
    %mul3A_131 = arith.muli %mul3A_129, %mul3A_130 : i32
    "tpu.region"() ({
      %run_scoped3A = tpu.sem_alloc : memref<!tpu.dma_semaphore, #tpu.memory_space<semaphore_mem>>
      %dma_start3A = tpu.memref_slice %arg3[%mul3A_131] : memref<262144xi32, #tpu.memory_space<hbm>> -> memref<1024xi32, #tpu.memory_space<hbm>>
      %dma_start3A_160 = tpu.memref_slice %arg3[%mul3A_131] : memref<262144xi32, #tpu.memory_space<hbm>> -> memref<1024xi32, #tpu.memory_space<hbm>>
      tpu.enqueue_dma source(%dma_start3A_160 : memref<1024xi32, #tpu.memory_space<hbm>>) target(%arg9 : memref<1024xi32, #tpu.memory_space<vmem>>) target_semaphore(%run_scoped3A : memref<!tpu.dma_semaphore, #tpu.memory_space<semaphore_mem>>)
      %dma_wait3A = tpu.memref_slice %arg3[%mul3A_131] : memref<262144xi32, #tpu.memory_space<hbm>> -> memref<1024xi32, #tpu.memory_space<hbm>>
      %dma_wait3A_161 = tpu.memref_slice %arg3[%mul3A_131] : memref<262144xi32, #tpu.memory_space<hbm>> -> memref<1024xi32, #tpu.memory_space<hbm>>
      tpu.wait_dma2 semaphore(%run_scoped3A : memref<!tpu.dma_semaphore, #tpu.memory_space<semaphore_mem>>) src(%dma_wait3A_161 : memref<1024xi32, #tpu.memory_space<hbm>>) dst(%arg9 : memref<1024xi32, #tpu.memory_space<vmem>>)
      tpu.yield
    }) : () -> ()
    %parallel_loop3A_132 = arith.constant 0 : i32
    %parallel_loop3A_133 = arith.constant 1024 : i32
    %parallel_loop3A_134 = arith.constant 16 : i32
    scf.for %parallel_loop3A_160 = %parallel_loop3A_132 to %parallel_loop3A_133 step %parallel_loop3A_134  : i32 {
      %parallel_loop3A_161 = arith.index_cast %parallel_loop3A_160 : i32 to index
      %parallel_loop3A_162 = tpu.vector_load %arg10[%parallel_loop3A_161] {strides = array<i32>} : memref<1024xi32, #tpu.memory_space<vmem>>, vector<16xi32>,
      %parallel_loop3A_163 = arith.index_cast %parallel_loop3A_160 : i32 to index
      %parallel_loop3A_164 = tpu.vector_load %arg8[%parallel_loop3A_163] {strides = array<i32>} : memref<1024xi32, #tpu.memory_space<vmem>>, vector<16xi32>,
      %parallel_loop3A_165 = arith.addi %parallel_loop3A_162, %parallel_loop3A_164 : vector<16xi32>
      %parallel_loop3A_166 = arith.index_cast %parallel_loop3A_160 : i32 to index
      %parallel_loop3A_167 = tpu.vector_load %arg9[%parallel_loop3A_166] {strides = array<i32>} : memref<1024xi32, #tpu.memory_space<vmem>>, vector<16xi32>,
      %parallel_loop3A_168 = arith.constant 5120 : i32
      %parallel_loop3A_169 = vector.broadcast %parallel_loop3A_168 : i32 to vector<16xi32>
      %parallel_loop3A_170 = arith.subi %parallel_loop3A_167, %parallel_loop3A_169 : vector<16xi32>
      %parallel_loop3A_171 = arith.constant 31 : i32
      %parallel_loop3A_172 = vector.broadcast %parallel_loop3A_171 : i32 to vector<16xi32>
      %parallel_loop3A_173 = arith.shrui %parallel_loop3A_170, %parallel_loop3A_172 : vector<16xi32>
      tpu.vector_store_idx %arg7[%parallel_loop3A_165], %parallel_loop3A_173 : memref<65536xi32, #tpu.memory_space<vmem>>[vector<16xi32>], vector<16xi32>,
    } {sc.loop_unroll_factor = 1 : i64, sc.parallel_access}
    %mul3A_135 = arith.constant 65536 : i32
    %mul3A_136 = arith.muli %add3A_123, %mul3A_135 : i32
    "tpu.region"() ({
      %run_scoped3A = tpu.sem_alloc : memref<!tpu.dma_semaphore, #tpu.memory_space<semaphore_mem>>
      %dma_start3A = tpu.memref_slice %arg6[%mul3A_136] : memref<16777216xi32, #tpu.memory_space<hbm>> -> memref<65536xi32, #tpu.memory_space<hbm>>
      %dma_start3A_160 = tpu.memref_slice %arg6[%mul3A_136] : memref<16777216xi32, #tpu.memory_space<hbm>> -> memref<65536xi32, #tpu.memory_space<hbm>>
      tpu.enqueue_dma source(%arg7 : memref<65536xi32, #tpu.memory_space<vmem>>) target(%dma_start3A_160 : memref<65536xi32, #tpu.memory_space<hbm>>) target_semaphore(%run_scoped3A : memref<!tpu.dma_semaphore, #tpu.memory_space<semaphore_mem>>)
      %dma_wait3A = tpu.memref_slice %arg6[%mul3A_136] : memref<16777216xi32, #tpu.memory_space<hbm>> -> memref<65536xi32, #tpu.memory_space<hbm>>
      %dma_wait3A_161 = tpu.memref_slice %arg6[%mul3A_136] : memref<16777216xi32, #tpu.memory_space<hbm>> -> memref<65536xi32, #tpu.memory_space<hbm>>
      tpu.wait_dma2 semaphore(%run_scoped3A : memref<!tpu.dma_semaphore, #tpu.memory_space<semaphore_mem>>) src(%arg7 : memref<65536xi32, #tpu.memory_space<vmem>>) dst(%dma_wait3A_161 : memref<65536xi32, #tpu.memory_space<hbm>>)
      tpu.yield
    }) : () -> ()
    %parallel_loop3A_137 = arith.constant 0 : i32
    %parallel_loop3A_138 = arith.constant 1024 : i32
    %parallel_loop3A_139 = arith.constant 16 : i32
    scf.for %parallel_loop3A_160 = %parallel_loop3A_137 to %parallel_loop3A_138 step %parallel_loop3A_139  : i32 {
      %parallel_loop3A_161 = arith.index_cast %parallel_loop3A_160 : i32 to index
      %parallel_loop3A_162 = tpu.vector_load %arg10[%parallel_loop3A_161] {strides = array<i32>} : memref<1024xi32, #tpu.memory_space<vmem>>, vector<16xi32>,
      %parallel_loop3A_163 = arith.index_cast %parallel_loop3A_160 : i32 to index
      %parallel_loop3A_164 = tpu.vector_load %arg8[%parallel_loop3A_163] {strides = array<i32>} : memref<1024xi32, #tpu.memory_space<vmem>>, vector<16xi32>,
      %parallel_loop3A_165 = arith.addi %parallel_loop3A_162, %parallel_loop3A_164 : vector<16xi32>
      %parallel_loop3A_166 = arith.constant 0 : i32
      %parallel_loop3A_167 = vector.broadcast %parallel_loop3A_166 : i32 to vector<16xi32>
      tpu.vector_store_idx %arg7[%parallel_loop3A_165], %parallel_loop3A_167 : memref<65536xi32, #tpu.memory_space<vmem>>[vector<16xi32>], vector<16xi32>,
    } {sc.loop_unroll_factor = 1 : i64, sc.parallel_access}
    %mul3A_140 = arith.constant 8 : i32
    %mul3A_141 = arith.muli %add3A, %mul3A_140 : i32
    %add3A_142 = arith.constant 7 : i32
    %add3A_143 = arith.addi %mul3A_141, %add3A_142 : i32
    %mul3A_144 = arith.constant 128 : i32
    %mul3A_145 = arith.muli %add3A_143, %mul3A_144 : i32
    %mul3A_146 = arith.constant 8 : i32
    %mul3A_147 = arith.muli %mul3A_145, %mul3A_146 : i32
    "tpu.region"() ({
      %run_scoped3A = tpu.sem_alloc : memref<!tpu.dma_semaphore, #tpu.memory_space<semaphore_mem>>
      %dma_start3A = tpu.memref_slice %arg2[%mul3A_147] : memref<262144xi32, #tpu.memory_space<hbm>> -> memref<1024xi32, #tpu.memory_space<hbm>>
      %dma_start3A_160 = tpu.memref_slice %arg2[%mul3A_147] : memref<262144xi32, #tpu.memory_space<hbm>> -> memref<1024xi32, #tpu.memory_space<hbm>>
      tpu.enqueue_dma source(%dma_start3A_160 : memref<1024xi32, #tpu.memory_space<hbm>>) target(%arg8 : memref<1024xi32, #tpu.memory_space<vmem>>) target_semaphore(%run_scoped3A : memref<!tpu.dma_semaphore, #tpu.memory_space<semaphore_mem>>)
      %dma_wait3A = tpu.memref_slice %arg2[%mul3A_147] : memref<262144xi32, #tpu.memory_space<hbm>> -> memref<1024xi32, #tpu.memory_space<hbm>>
      %dma_wait3A_161 = tpu.memref_slice %arg2[%mul3A_147] : memref<262144xi32, #tpu.memory_space<hbm>> -> memref<1024xi32, #tpu.memory_space<hbm>>
      tpu.wait_dma2 semaphore(%run_scoped3A : memref<!tpu.dma_semaphore, #tpu.memory_space<semaphore_mem>>) src(%dma_wait3A_161 : memref<1024xi32, #tpu.memory_space<hbm>>) dst(%arg8 : memref<1024xi32, #tpu.memory_space<vmem>>)
      tpu.yield
    }) : () -> ()
    %mul3A_148 = arith.constant 128 : i32
    %mul3A_149 = arith.muli %add3A_143, %mul3A_148 : i32
    %mul3A_150 = arith.constant 8 : i32
    %mul3A_151 = arith.muli %mul3A_149, %mul3A_150 : i32
    "tpu.region"() ({
      %run_scoped3A = tpu.sem_alloc : memref<!tpu.dma_semaphore, #tpu.memory_space<semaphore_mem>>
      %dma_start3A = tpu.memref_slice %arg3[%mul3A_151] : memref<262144xi32, #tpu.memory_space<hbm>> -> memref<1024xi32, #tpu.memory_space<hbm>>
      %dma_start3A_160 = tpu.memref_slice %arg3[%mul3A_151] : memref<262144xi32, #tpu.memory_space<hbm>> -> memref<1024xi32, #tpu.memory_space<hbm>>
      tpu.enqueue_dma source(%dma_start3A_160 : memref<1024xi32, #tpu.memory_space<hbm>>) target(%arg9 : memref<1024xi32, #tpu.memory_space<vmem>>) target_semaphore(%run_scoped3A : memref<!tpu.dma_semaphore, #tpu.memory_space<semaphore_mem>>)
      %dma_wait3A = tpu.memref_slice %arg3[%mul3A_151] : memref<262144xi32, #tpu.memory_space<hbm>> -> memref<1024xi32, #tpu.memory_space<hbm>>
      %dma_wait3A_161 = tpu.memref_slice %arg3[%mul3A_151] : memref<262144xi32, #tpu.memory_space<hbm>> -> memref<1024xi32, #tpu.memory_space<hbm>>
      tpu.wait_dma2 semaphore(%run_scoped3A : memref<!tpu.dma_semaphore, #tpu.memory_space<semaphore_mem>>) src(%dma_wait3A_161 : memref<1024xi32, #tpu.memory_space<hbm>>) dst(%arg9 : memref<1024xi32, #tpu.memory_space<vmem>>)
      tpu.yield
    }) : () -> ()
    %parallel_loop3A_152 = arith.constant 0 : i32
    %parallel_loop3A_153 = arith.constant 1024 : i32
    %parallel_loop3A_154 = arith.constant 16 : i32
    scf.for %parallel_loop3A_160 = %parallel_loop3A_152 to %parallel_loop3A_153 step %parallel_loop3A_154  : i32 {
      %parallel_loop3A_161 = arith.index_cast %parallel_loop3A_160 : i32 to index
      %parallel_loop3A_162 = tpu.vector_load %arg10[%parallel_loop3A_161] {strides = array<i32>} : memref<1024xi32, #tpu.memory_space<vmem>>, vector<16xi32>,
      %parallel_loop3A_163 = arith.index_cast %parallel_loop3A_160 : i32 to index
      %parallel_loop3A_164 = tpu.vector_load %arg8[%parallel_loop3A_163] {strides = array<i32>} : memref<1024xi32, #tpu.memory_space<vmem>>, vector<16xi32>,
      %parallel_loop3A_165 = arith.addi %parallel_loop3A_162, %parallel_loop3A_164 : vector<16xi32>
      %parallel_loop3A_166 = arith.index_cast %parallel_loop3A_160 : i32 to index
      %parallel_loop3A_167 = tpu.vector_load %arg9[%parallel_loop3A_166] {strides = array<i32>} : memref<1024xi32, #tpu.memory_space<vmem>>, vector<16xi32>,
      %parallel_loop3A_168 = arith.constant 5120 : i32
      %parallel_loop3A_169 = vector.broadcast %parallel_loop3A_168 : i32 to vector<16xi32>
      %parallel_loop3A_170 = arith.subi %parallel_loop3A_167, %parallel_loop3A_169 : vector<16xi32>
      %parallel_loop3A_171 = arith.constant 31 : i32
      %parallel_loop3A_172 = vector.broadcast %parallel_loop3A_171 : i32 to vector<16xi32>
      %parallel_loop3A_173 = arith.shrui %parallel_loop3A_170, %parallel_loop3A_172 : vector<16xi32>
      tpu.vector_store_idx %arg7[%parallel_loop3A_165], %parallel_loop3A_173 : memref<65536xi32, #tpu.memory_space<vmem>>[vector<16xi32>], vector<16xi32>,
    } {sc.loop_unroll_factor = 1 : i64, sc.parallel_access}
    %mul3A_155 = arith.constant 65536 : i32
    %mul3A_156 = arith.muli %add3A_143, %mul3A_155 : i32
    "tpu.region"() ({
      %run_scoped3A = tpu.sem_alloc : memref<!tpu.dma_semaphore, #tpu.memory_space<semaphore_mem>>
      %dma_start3A = tpu.memref_slice %arg6[%mul3A_156] : memref<16777216xi32, #tpu.memory_space<hbm>> -> memref<65536xi32, #tpu.memory_space<hbm>>
      %dma_start3A_160 = tpu.memref_slice %arg6[%mul3A_156] : memref<16777216xi32, #tpu.memory_space<hbm>> -> memref<65536xi32, #tpu.memory_space<hbm>>
      tpu.enqueue_dma source(%arg7 : memref<65536xi32, #tpu.memory_space<vmem>>) target(%dma_start3A_160 : memref<65536xi32, #tpu.memory_space<hbm>>) target_semaphore(%run_scoped3A : memref<!tpu.dma_semaphore, #tpu.memory_space<semaphore_mem>>)
      %dma_wait3A = tpu.memref_slice %arg6[%mul3A_156] : memref<16777216xi32, #tpu.memory_space<hbm>> -> memref<65536xi32, #tpu.memory_space<hbm>>
      %dma_wait3A_161 = tpu.memref_slice %arg6[%mul3A_156] : memref<16777216xi32, #tpu.memory_space<hbm>> -> memref<65536xi32, #tpu.memory_space<hbm>>
      tpu.wait_dma2 semaphore(%run_scoped3A : memref<!tpu.dma_semaphore, #tpu.memory_space<semaphore_mem>>) src(%arg7 : memref<65536xi32, #tpu.memory_space<vmem>>) dst(%dma_wait3A_161 : memref<65536xi32, #tpu.memory_space<hbm>>)
      tpu.yield
    }) : () -> ()
    %parallel_loop3A_157 = arith.constant 0 : i32
    %parallel_loop3A_158 = arith.constant 1024 : i32
    %parallel_loop3A_159 = arith.constant 16 : i32
    scf.for %parallel_loop3A_160 = %parallel_loop3A_157 to %parallel_loop3A_158 step %parallel_loop3A_159  : i32 {
      %parallel_loop3A_161 = arith.index_cast %parallel_loop3A_160 : i32 to index
      %parallel_loop3A_162 = tpu.vector_load %arg10[%parallel_loop3A_161] {strides = array<i32>} : memref<1024xi32, #tpu.memory_space<vmem>>, vector<16xi32>,
      %parallel_loop3A_163 = arith.index_cast %parallel_loop3A_160 : i32 to index
      %parallel_loop3A_164 = tpu.vector_load %arg8[%parallel_loop3A_163] {strides = array<i32>} : memref<1024xi32, #tpu.memory_space<vmem>>, vector<16xi32>,
      %parallel_loop3A_165 = arith.addi %parallel_loop3A_162, %parallel_loop3A_164 : vector<16xi32>
      %parallel_loop3A_166 = arith.constant 0 : i32
      %parallel_loop3A_167 = vector.broadcast %parallel_loop3A_166 : i32 to vector<16xi32>
      tpu.vector_store_idx %arg7[%parallel_loop3A_165], %parallel_loop3A_167 : memref<65536xi32, #tpu.memory_space<vmem>>[vector<16xi32>], vector<16xi32>,
    } {sc.loop_unroll_factor = 1 : i64, sc.parallel_access}
    return
  }
}

module attributes {stable_mosaic.version = 14 : i64} {
  func.func @_hist_body(%arg0: i32, %arg1: memref<512x8xi32, #tpu.memory_space<vmem>>, %arg2: memref<8x512xbf16, #tpu.memory_space<vmem>>, %arg3: memref<8x512xf32, #tpu.memory_space<vmem>>, %arg4: memref<8x512xi32, #tpu.memory_space<vmem>>) attributes {dimension_semantics = [#tpu.dimension_semantics<arbitrary>], iteration_bounds = array<i64: 64>, scalar_prefetch = 0 : i64, scratch_operands = 0 : i64, tpu.core_type = #tpu.core_type<tc>, window_params = [{transform_indices = @transform_0, window_bounds = array<i64: 512, 8>}, {pipeline_mode = #tpu.pipeline_mode<synchronous>, transform_indices = @transform_1, window_bounds = array<i64: 8, 512>}, {pipeline_mode = #tpu.pipeline_mode<synchronous>, transform_indices = @transform_2, window_bounds = array<i64: 8, 512>}, {pipeline_mode = #tpu.pipeline_mode<synchronous>, transform_indices = @transform_3, window_bounds = array<i64: 8, 512>}]} {
    %get3A = arith.constant 0 : index
    %get3A_0 = arith.constant 0 : index
    %get3A_1 = vector.load %arg1[%get3A, %get3A_0] : memref<512x8xi32, #tpu.memory_space<vmem>>, vector<512x8xi32>
    %convert_element_type3A = arith.sitofp %get3A_1 : vector<512x8xi32> to vector<512x8xbf16>
    %get3A_2 = arith.constant 0 : index
    %get3A_3 = arith.constant 0 : index
    %get3A_4 = vector.load %arg2[%get3A_2, %get3A_3] : memref<8x512xbf16, #tpu.memory_space<vmem>>, vector<8x512xbf16>
    %dot_general3A = arith.constant dense<0.000000e+00> : vector<512x512xf32>
    %dot_general3A_5 = tpu.matmul %convert_element_type3A, %get3A_4, %dot_general3A {dimension_numbers = #tpu.dot_dimension_numbers<[1], [0], [0], [1], [0, 0, 1, 1], [], []>, transpose_lhs_hint = false} : vector<512x8xbf16>, vector<8x512xbf16>, vector<512x512xf32> -> vector<512x512xf32>
    %get3A_6 = arith.constant 0 : index
    %get3A_7 = arith.constant 0 : index
    %get3A_8 = vector.load %arg3[%get3A_6, %get3A_7] : memref<8x512xf32, #tpu.memory_space<vmem>>, vector<1x512xf32>
    %eq3A = vector.broadcast %get3A_8 : vector<1x512xf32> to vector<512x512xf32>
    %eq3A_9 = arith.cmpf oeq, %dot_general3A_5, %eq3A : vector<512x512xf32>
    %convert_element_type3A_10 = arith.extui %eq3A_9 : vector<512x512xi1> to vector<512x512xi32>
    %reduce_sum3A = arith.constant dense<0> : vector<512xi32>
    %reduce_sum3A_11 = vector.multi_reduction <add>, %convert_element_type3A_10, %reduce_sum3A [0] : vector<512x512xi32> to vector<512xi32>
    %broadcast_in_dim3A = vector.shape_cast %reduce_sum3A_11 : vector<512xi32> to vector<1x512xi32>
    %eq3A_12 = arith.constant 0 : i32
    %eq3A_13 = arith.cmpi eq, %arg0, %eq3A_12 : i32
    %convert_element_type3A_14 = arith.extui %eq3A_13 : i1 to i32
    %cond3A = arith.constant 0 : i32
    %cond3A_15 = arith.cmpi ne, %convert_element_type3A_14, %cond3A : i32
    scf.if %cond3A_15 {
      %broadcast_in_dim3A_21 = arith.constant 0 : i32
      %broadcast_in_dim3A_22 = vector.broadcast %broadcast_in_dim3A_21 : i32 to vector<8x512xi32>
      %swap3A_23 = arith.constant 0 : index
      %swap3A_24 = arith.constant 0 : index
      %swap3A_25 = vector.load %arg4[%swap3A_23, %swap3A_24] : memref<8x512xi32, #tpu.memory_space<vmem>>, vector<8x512xi32>
      tpu.vector_store %arg4[%swap3A_23, %swap3A_24], %broadcast_in_dim3A_22 {strides = array<i32>} : memref<8x512xi32, #tpu.memory_space<vmem>>, vector<8x512xi32>,
    } else {
    }
    %get3A_16 = arith.constant 0 : index
    %get3A_17 = arith.constant 0 : index
    %get3A_18 = vector.load %arg4[%get3A_16, %get3A_17] : memref<8x512xi32, #tpu.memory_space<vmem>>, vector<1x512xi32>
    %add3A = arith.addi %get3A_18, %broadcast_in_dim3A : vector<1x512xi32>
    %swap3A = arith.constant 0 : index
    %swap3A_19 = arith.constant 0 : index
    %swap3A_20 = vector.load %arg4[%swap3A, %swap3A_19] : memref<8x512xi32, #tpu.memory_space<vmem>>, vector<1x512xi32>
    tpu.vector_store %arg4[%swap3A, %swap3A_19], %add3A {strides = array<i32>} : memref<8x512xi32, #tpu.memory_space<vmem>>, vector<1x512xi32>,
    return
  }
  func.func @transform_0(%arg0: i32) -> (i32, i32) {
    %c0_i32 = arith.constant 0 : i32
    %c0_i32_0 = arith.constant 0 : i32
    return %arg0, %c0_i32 : i32, i32
  }
  func.func @transform_1(%arg0: i32) -> (i32, i32) {
    %c0_i32 = arith.constant 0 : i32
    %c0_i32_0 = arith.constant 0 : i32
    %c0_i32_1 = arith.constant 0 : i32
    return %c0_i32, %c0_i32_0 : i32, i32
  }
  func.func @transform_2(%arg0: i32) -> (i32, i32) {
    %c0_i32 = arith.constant 0 : i32
    %c0_i32_0 = arith.constant 0 : i32
    %c0_i32_1 = arith.constant 0 : i32
    return %c0_i32, %c0_i32_0 : i32, i32
  }
  func.func @transform_3(%arg0: i32) -> (i32, i32) {
    %c0_i32 = arith.constant 0 : i32
    %c0_i32_0 = arith.constant 0 : i32
    %c0_i32_1 = arith.constant 0 : i32
    return %c0_i32, %c0_i32_0 : i32, i32
  }
}

module attributes {stable_mosaic.version = 14 : i64} {
  func.func @_topk_body(%arg0: i32, %arg1: memref<4096x768xf32, #tpu.memory_space<vmem>>, %arg2: memref<64x768xf32, #tpu.memory_space<vmem>>, %arg3: memref<4096x8xi32, #tpu.memory_space<vmem>>, %arg4: memref<4096x8xf32, #tpu.memory_space<vmem>>) attributes {dimension_semantics = [#tpu.dimension_semantics<arbitrary>], iteration_bounds = array<i64: 8>, scalar_prefetch = 0 : i64, scratch_operands = 0 : i64, tpu.core_type = #tpu.core_type<tc>, window_params = [{transform_indices = @transform_0, window_bounds = array<i64: 4096, 768>}, {pipeline_mode = #tpu.pipeline_mode<synchronous>, transform_indices = @transform_1, window_bounds = array<i64: 64, 768>}, {transform_indices = @transform_2, window_bounds = array<i64: 4096, 8>}, {transform_indices = @transform_3, window_bounds = array<i64: 4096, 8>}]} {
    %get3A = arith.constant 0 : index
    %get3A_0 = arith.constant 0 : index
    %get3A_1 = vector.load %arg2[%get3A, %get3A_0] : memref<64x768xf32, #tpu.memory_space<vmem>>, vector<64x768xf32>
    %get3A_2 = arith.constant 0 : index
    %get3A_3 = arith.constant 0 : index
    %get3A_4 = vector.load %arg1[%get3A_2, %get3A_3] : memref<4096x768xf32, #tpu.memory_space<vmem>>, vector<4096x768xf32>
    %dot_general3A = arith.constant dense<0.000000e+00> : vector<64x4096xf32>
    %dot_general3A_5 = tpu.matmul %get3A_1, %get3A_4, %dot_general3A {dimension_numbers = #tpu.dot_dimension_numbers<[1], [1], [0], [0], [0, 0, 1, 0], [], []>, transpose_lhs_hint = false} : vector<64x768xf32>, vector<4096x768xf32>, vector<64x4096xf32> -> vector<64x4096xf32>
    %iota3A = tpu.iota {dimensions = array<i32: 0>} : vector<64x4096xi32>
    %reduce_max3A = arith.constant dense<0xFF800000> : vector<4096xf32>
    %reduce_max3A_6 = vector.multi_reduction <maximumf>, %dot_general3A_5, %reduce_max3A [0] : vector<64x4096xf32> to vector<4096xf32>
    %broadcast_in_dim3A = vector.shape_cast %reduce_max3A_6 : vector<4096xf32> to vector<1x4096xf32>
    %eq3A = vector.broadcast %broadcast_in_dim3A : vector<1x4096xf32> to vector<64x4096xf32>
    %eq3A_7 = arith.cmpf oeq, %dot_general3A_5, %eq3A : vector<64x4096xf32>
    %jit3A = arith.constant 64 : i32
    %broadcast_in_dim3A_8 = vector.broadcast %jit3A : i32 to vector<64x4096xi32>
    %select_n3A = arith.select %eq3A_7, %iota3A, %broadcast_in_dim3A_8 : vector<64x4096xi1>, vector<64x4096xi32>
    %reduce_min3A = arith.constant dense<2147483647> : vector<4096xi32>
    %reduce_min3A_9 = vector.multi_reduction <minsi>, %select_n3A, %reduce_min3A [0] : vector<64x4096xi32> to vector<4096xi32>
    %broadcast_in_dim3A_10 = vector.shape_cast %reduce_min3A_9 : vector<4096xi32> to vector<1x4096xi32>
    %eq3A_11 = vector.broadcast %broadcast_in_dim3A_10 : vector<1x4096xi32> to vector<64x4096xi32>
    %eq3A_12 = arith.cmpi eq, %iota3A, %eq3A_11 : vector<64x4096xi32>
    %jit3A_13 = arith.constant 0xFF800000 : f32
    %broadcast_in_dim3A_14 = vector.broadcast %jit3A_13 : f32 to vector<64x4096xf32>
    %select_n3A_15 = arith.select %eq3A_12, %broadcast_in_dim3A_14, %dot_general3A_5 : vector<64x4096xi1>, vector<64x4096xf32>
    %reduce_max3A_16 = arith.constant dense<0xFF800000> : vector<4096xf32>
    %reduce_max3A_17 = vector.multi_reduction <maximumf>, %select_n3A_15, %reduce_max3A_16 [0] : vector<64x4096xf32> to vector<4096xf32>
    %broadcast_in_dim3A_18 = vector.shape_cast %reduce_max3A_17 : vector<4096xf32> to vector<1x4096xf32>
    %eq3A_19 = vector.broadcast %broadcast_in_dim3A_18 : vector<1x4096xf32> to vector<64x4096xf32>
    %eq3A_20 = arith.cmpf oeq, %select_n3A_15, %eq3A_19 : vector<64x4096xf32>
    %jit3A_21 = arith.constant 64 : i32
    %broadcast_in_dim3A_22 = vector.broadcast %jit3A_21 : i32 to vector<64x4096xi32>
    %select_n3A_23 = arith.select %eq3A_20, %iota3A, %broadcast_in_dim3A_22 : vector<64x4096xi1>, vector<64x4096xi32>
    %reduce_min3A_24 = arith.constant dense<2147483647> : vector<4096xi32>
    %reduce_min3A_25 = vector.multi_reduction <minsi>, %select_n3A_23, %reduce_min3A_24 [0] : vector<64x4096xi32> to vector<4096xi32>
    %broadcast_in_dim3A_26 = vector.shape_cast %reduce_min3A_25 : vector<4096xi32> to vector<1x4096xi32>
    %eq3A_27 = vector.broadcast %broadcast_in_dim3A_26 : vector<1x4096xi32> to vector<64x4096xi32>
    %eq3A_28 = arith.cmpi eq, %iota3A, %eq3A_27 : vector<64x4096xi32>
    %jit3A_29 = arith.constant 0xFF800000 : f32
    %broadcast_in_dim3A_30 = vector.broadcast %jit3A_29 : f32 to vector<64x4096xf32>
    %select_n3A_31 = arith.select %eq3A_28, %broadcast_in_dim3A_30, %select_n3A_15 : vector<64x4096xi1>, vector<64x4096xf32>
    %reduce_max3A_32 = arith.constant dense<0xFF800000> : vector<4096xf32>
    %reduce_max3A_33 = vector.multi_reduction <maximumf>, %select_n3A_31, %reduce_max3A_32 [0] : vector<64x4096xf32> to vector<4096xf32>
    %broadcast_in_dim3A_34 = vector.shape_cast %reduce_max3A_33 : vector<4096xf32> to vector<1x4096xf32>
    %eq3A_35 = vector.broadcast %broadcast_in_dim3A_34 : vector<1x4096xf32> to vector<64x4096xf32>
    %eq3A_36 = arith.cmpf oeq, %select_n3A_31, %eq3A_35 : vector<64x4096xf32>
    %jit3A_37 = arith.constant 64 : i32
    %broadcast_in_dim3A_38 = vector.broadcast %jit3A_37 : i32 to vector<64x4096xi32>
    %select_n3A_39 = arith.select %eq3A_36, %iota3A, %broadcast_in_dim3A_38 : vector<64x4096xi1>, vector<64x4096xi32>
    %reduce_min3A_40 = arith.constant dense<2147483647> : vector<4096xi32>
    %reduce_min3A_41 = vector.multi_reduction <minsi>, %select_n3A_39, %reduce_min3A_40 [0] : vector<64x4096xi32> to vector<4096xi32>
    %broadcast_in_dim3A_42 = vector.shape_cast %reduce_min3A_41 : vector<4096xi32> to vector<1x4096xi32>
    %eq3A_43 = vector.broadcast %broadcast_in_dim3A_42 : vector<1x4096xi32> to vector<64x4096xi32>
    %eq3A_44 = arith.cmpi eq, %iota3A, %eq3A_43 : vector<64x4096xi32>
    %jit3A_45 = arith.constant 0xFF800000 : f32
    %broadcast_in_dim3A_46 = vector.broadcast %jit3A_45 : f32 to vector<64x4096xf32>
    %select_n3A_47 = arith.select %eq3A_44, %broadcast_in_dim3A_46, %select_n3A_31 : vector<64x4096xi1>, vector<64x4096xf32>
    %reduce_max3A_48 = arith.constant dense<0xFF800000> : vector<4096xf32>
    %reduce_max3A_49 = vector.multi_reduction <maximumf>, %select_n3A_47, %reduce_max3A_48 [0] : vector<64x4096xf32> to vector<4096xf32>
    %broadcast_in_dim3A_50 = vector.shape_cast %reduce_max3A_49 : vector<4096xf32> to vector<1x4096xf32>
    %eq3A_51 = vector.broadcast %broadcast_in_dim3A_50 : vector<1x4096xf32> to vector<64x4096xf32>
    %eq3A_52 = arith.cmpf oeq, %select_n3A_47, %eq3A_51 : vector<64x4096xf32>
    %jit3A_53 = arith.constant 64 : i32
    %broadcast_in_dim3A_54 = vector.broadcast %jit3A_53 : i32 to vector<64x4096xi32>
    %select_n3A_55 = arith.select %eq3A_52, %iota3A, %broadcast_in_dim3A_54 : vector<64x4096xi1>, vector<64x4096xi32>
    %reduce_min3A_56 = arith.constant dense<2147483647> : vector<4096xi32>
    %reduce_min3A_57 = vector.multi_reduction <minsi>, %select_n3A_55, %reduce_min3A_56 [0] : vector<64x4096xi32> to vector<4096xi32>
    %broadcast_in_dim3A_58 = vector.shape_cast %reduce_min3A_57 : vector<4096xi32> to vector<1x4096xi32>
    %eq3A_59 = vector.broadcast %broadcast_in_dim3A_58 : vector<1x4096xi32> to vector<64x4096xi32>
    %eq3A_60 = arith.cmpi eq, %iota3A, %eq3A_59 : vector<64x4096xi32>
    %jit3A_61 = arith.constant 0xFF800000 : f32
    %broadcast_in_dim3A_62 = vector.broadcast %jit3A_61 : f32 to vector<64x4096xf32>
    %select_n3A_63 = arith.select %eq3A_60, %broadcast_in_dim3A_62, %select_n3A_47 : vector<64x4096xi1>, vector<64x4096xf32>
    %reduce_max3A_64 = arith.constant dense<0xFF800000> : vector<4096xf32>
    %reduce_max3A_65 = vector.multi_reduction <maximumf>, %select_n3A_63, %reduce_max3A_64 [0] : vector<64x4096xf32> to vector<4096xf32>
    %broadcast_in_dim3A_66 = vector.shape_cast %reduce_max3A_65 : vector<4096xf32> to vector<1x4096xf32>
    %eq3A_67 = vector.broadcast %broadcast_in_dim3A_66 : vector<1x4096xf32> to vector<64x4096xf32>
    %eq3A_68 = arith.cmpf oeq, %select_n3A_63, %eq3A_67 : vector<64x4096xf32>
    %jit3A_69 = arith.constant 64 : i32
    %broadcast_in_dim3A_70 = vector.broadcast %jit3A_69 : i32 to vector<64x4096xi32>
    %select_n3A_71 = arith.select %eq3A_68, %iota3A, %broadcast_in_dim3A_70 : vector<64x4096xi1>, vector<64x4096xi32>
    %reduce_min3A_72 = arith.constant dense<2147483647> : vector<4096xi32>
    %reduce_min3A_73 = vector.multi_reduction <minsi>, %select_n3A_71, %reduce_min3A_72 [0] : vector<64x4096xi32> to vector<4096xi32>
    %broadcast_in_dim3A_74 = vector.shape_cast %reduce_min3A_73 : vector<4096xi32> to vector<1x4096xi32>
    %eq3A_75 = vector.broadcast %broadcast_in_dim3A_74 : vector<1x4096xi32> to vector<64x4096xi32>
    %eq3A_76 = arith.cmpi eq, %iota3A, %eq3A_75 : vector<64x4096xi32>
    %jit3A_77 = arith.constant 0xFF800000 : f32
    %broadcast_in_dim3A_78 = vector.broadcast %jit3A_77 : f32 to vector<64x4096xf32>
    %select_n3A_79 = arith.select %eq3A_76, %broadcast_in_dim3A_78, %select_n3A_63 : vector<64x4096xi1>, vector<64x4096xf32>
    %reduce_max3A_80 = arith.constant dense<0xFF800000> : vector<4096xf32>
    %reduce_max3A_81 = vector.multi_reduction <maximumf>, %select_n3A_79, %reduce_max3A_80 [0] : vector<64x4096xf32> to vector<4096xf32>
    %broadcast_in_dim3A_82 = vector.shape_cast %reduce_max3A_81 : vector<4096xf32> to vector<1x4096xf32>
    %eq3A_83 = vector.broadcast %broadcast_in_dim3A_82 : vector<1x4096xf32> to vector<64x4096xf32>
    %eq3A_84 = arith.cmpf oeq, %select_n3A_79, %eq3A_83 : vector<64x4096xf32>
    %jit3A_85 = arith.constant 64 : i32
    %broadcast_in_dim3A_86 = vector.broadcast %jit3A_85 : i32 to vector<64x4096xi32>
    %select_n3A_87 = arith.select %eq3A_84, %iota3A, %broadcast_in_dim3A_86 : vector<64x4096xi1>, vector<64x4096xi32>
    %reduce_min3A_88 = arith.constant dense<2147483647> : vector<4096xi32>
    %reduce_min3A_89 = vector.multi_reduction <minsi>, %select_n3A_87, %reduce_min3A_88 [0] : vector<64x4096xi32> to vector<4096xi32>
    %broadcast_in_dim3A_90 = vector.shape_cast %reduce_min3A_89 : vector<4096xi32> to vector<1x4096xi32>
    %eq3A_91 = vector.broadcast %broadcast_in_dim3A_90 : vector<1x4096xi32> to vector<64x4096xi32>
    %eq3A_92 = arith.cmpi eq, %iota3A, %eq3A_91 : vector<64x4096xi32>
    %jit3A_93 = arith.constant 0xFF800000 : f32
    %broadcast_in_dim3A_94 = vector.broadcast %jit3A_93 : f32 to vector<64x4096xf32>
    %select_n3A_95 = arith.select %eq3A_92, %broadcast_in_dim3A_94, %select_n3A_79 : vector<64x4096xi1>, vector<64x4096xf32>
    %reduce_max3A_96 = arith.constant dense<0xFF800000> : vector<4096xf32>
    %reduce_max3A_97 = vector.multi_reduction <maximumf>, %select_n3A_95, %reduce_max3A_96 [0] : vector<64x4096xf32> to vector<4096xf32>
    %broadcast_in_dim3A_98 = vector.shape_cast %reduce_max3A_97 : vector<4096xf32> to vector<1x4096xf32>
    %eq3A_99 = vector.broadcast %broadcast_in_dim3A_98 : vector<1x4096xf32> to vector<64x4096xf32>
    %eq3A_100 = arith.cmpf oeq, %select_n3A_95, %eq3A_99 : vector<64x4096xf32>
    %jit3A_101 = arith.constant 64 : i32
    %broadcast_in_dim3A_102 = vector.broadcast %jit3A_101 : i32 to vector<64x4096xi32>
    %select_n3A_103 = arith.select %eq3A_100, %iota3A, %broadcast_in_dim3A_102 : vector<64x4096xi1>, vector<64x4096xi32>
    %reduce_min3A_104 = arith.constant dense<2147483647> : vector<4096xi32>
    %reduce_min3A_105 = vector.multi_reduction <minsi>, %select_n3A_103, %reduce_min3A_104 [0] : vector<64x4096xi32> to vector<4096xi32>
    %broadcast_in_dim3A_106 = vector.shape_cast %reduce_min3A_105 : vector<4096xi32> to vector<1x4096xi32>
    %eq3A_107 = vector.broadcast %broadcast_in_dim3A_106 : vector<1x4096xi32> to vector<64x4096xi32>
    %eq3A_108 = arith.cmpi eq, %iota3A, %eq3A_107 : vector<64x4096xi32>
    %jit3A_109 = arith.constant 0xFF800000 : f32
    %broadcast_in_dim3A_110 = vector.broadcast %jit3A_109 : f32 to vector<64x4096xf32>
    %select_n3A_111 = arith.select %eq3A_108, %broadcast_in_dim3A_110, %select_n3A_95 : vector<64x4096xi1>, vector<64x4096xf32>
    %reduce_max3A_112 = arith.constant dense<0xFF800000> : vector<4096xf32>
    %reduce_max3A_113 = vector.multi_reduction <maximumf>, %select_n3A_111, %reduce_max3A_112 [0] : vector<64x4096xf32> to vector<4096xf32>
    %broadcast_in_dim3A_114 = vector.shape_cast %reduce_max3A_113 : vector<4096xf32> to vector<1x4096xf32>
    %eq3A_115 = vector.broadcast %broadcast_in_dim3A_114 : vector<1x4096xf32> to vector<64x4096xf32>
    %eq3A_116 = arith.cmpf oeq, %select_n3A_111, %eq3A_115 : vector<64x4096xf32>
    %jit3A_117 = arith.constant 64 : i32
    %broadcast_in_dim3A_118 = vector.broadcast %jit3A_117 : i32 to vector<64x4096xi32>
    %select_n3A_119 = arith.select %eq3A_116, %iota3A, %broadcast_in_dim3A_118 : vector<64x4096xi1>, vector<64x4096xi32>
    %reduce_min3A_120 = arith.constant dense<2147483647> : vector<4096xi32>
    %reduce_min3A_121 = vector.multi_reduction <minsi>, %select_n3A_119, %reduce_min3A_120 [0] : vector<64x4096xi32> to vector<4096xi32>
    %broadcast_in_dim3A_122 = vector.shape_cast %reduce_min3A_121 : vector<4096xi32> to vector<1x4096xi32>
    %concatenate3A = tpu.concatenate %broadcast_in_dim3A, %broadcast_in_dim3A_18, %broadcast_in_dim3A_34, %broadcast_in_dim3A_50, %broadcast_in_dim3A_66, %broadcast_in_dim3A_82, %broadcast_in_dim3A_98, %broadcast_in_dim3A_114 in 0 : vector<1x4096xf32>, vector<1x4096xf32>, vector<1x4096xf32>, vector<1x4096xf32>, vector<1x4096xf32>, vector<1x4096xf32>, vector<1x4096xf32>, vector<1x4096xf32> -> vector<8x4096xf32>
    %slice3A = vector.extract_strided_slice %concatenate3A {offsets = [0, 0], sizes = [1, 4096], strides = [1, 1]} : vector<8x4096xf32> to vector<1x4096xf32>
    %sub3A = vector.broadcast %slice3A : vector<1x4096xf32> to vector<8x4096xf32>
    %sub3A_123 = arith.subf %concatenate3A, %sub3A : vector<8x4096xf32>
    %exp3A = math.exp %sub3A_123 : vector<8x4096xf32>
    %reduce_sum3A = arith.constant dense<0.000000e+00> : vector<4096xf32>
    %reduce_sum3A_124 = vector.multi_reduction <add>, %exp3A, %reduce_sum3A [0] : vector<8x4096xf32> to vector<4096xf32>
    %broadcast_in_dim3A_125 = vector.shape_cast %reduce_sum3A_124 : vector<4096xf32> to vector<1x4096xf32>
    %div3A = vector.broadcast %broadcast_in_dim3A_125 : vector<1x4096xf32> to vector<8x4096xf32>
    %div3A_126 = arith.divf %exp3A, %div3A : vector<8x4096xf32>
    %concatenate3A_127 = tpu.concatenate %broadcast_in_dim3A_10, %broadcast_in_dim3A_26, %broadcast_in_dim3A_42, %broadcast_in_dim3A_58, %broadcast_in_dim3A_74, %broadcast_in_dim3A_90, %broadcast_in_dim3A_106, %broadcast_in_dim3A_122 in 0 : vector<1x4096xi32>, vector<1x4096xi32>, vector<1x4096xi32>, vector<1x4096xi32>, vector<1x4096xi32>, vector<1x4096xi32>, vector<1x4096xi32>, vector<1x4096xi32> -> vector<8x4096xi32>
    %transpose3A = tpu.transpose %concatenate3A_127, [1, 0] : vector<8x4096xi32> -> vector<4096x8xi32>
    %swap3A = arith.constant 0 : index
    %swap3A_128 = arith.constant 0 : index
    %swap3A_129 = vector.load %arg3[%swap3A, %swap3A_128] : memref<4096x8xi32, #tpu.memory_space<vmem>>, vector<4096x8xi32>
    tpu.vector_store %arg3[%swap3A, %swap3A_128], %transpose3A {strides = array<i32>} : memref<4096x8xi32, #tpu.memory_space<vmem>>, vector<4096x8xi32>,
    %transpose3A_130 = tpu.transpose %div3A_126, [1, 0] : vector<8x4096xf32> -> vector<4096x8xf32>
    %swap3A_131 = arith.constant 0 : index
    %swap3A_132 = arith.constant 0 : index
    %swap3A_133 = vector.load %arg4[%swap3A_131, %swap3A_132] : memref<4096x8xf32, #tpu.memory_space<vmem>>, vector<4096x8xf32>
    tpu.vector_store %arg4[%swap3A_131, %swap3A_132], %transpose3A_130 {strides = array<i32>} : memref<4096x8xf32, #tpu.memory_space<vmem>>, vector<4096x8xf32>,
    return
  }
  func.func @transform_0(%arg0: i32) -> (i32, i32) {
    %c0_i32 = arith.constant 0 : i32
    %c0_i32_0 = arith.constant 0 : i32
    return %arg0, %c0_i32 : i32, i32
  }
  func.func @transform_1(%arg0: i32) -> (i32, i32) {
    %c0_i32 = arith.constant 0 : i32
    %c0_i32_0 = arith.constant 0 : i32
    %c0_i32_1 = arith.constant 0 : i32
    return %c0_i32, %c0_i32_0 : i32, i32
  }
  func.func @transform_2(%arg0: i32) -> (i32, i32) {
    %c0_i32 = arith.constant 0 : i32
    %c0_i32_0 = arith.constant 0 : i32
    return %arg0, %c0_i32 : i32, i32
  }
  func.func @transform_3(%arg0: i32) -> (i32, i32) {
    %c0_i32 = arith.constant 0 : i32
    %c0_i32_0 = arith.constant 0 : i32
    return %arg0, %c0_i32 : i32, i32
  }
}

module attributes {stable_mosaic.version = 14 : i64} {
  func.func @_rank_body(%arg0: i32, %arg1: memref<8x512xi32, #tpu.memory_space<vmem>>, %arg2: memref<512x8xi32, #tpu.memory_space<vmem>>, %arg3: memref<512x8xf32, #tpu.memory_space<vmem>>, %arg4: memref<512x512xbf16, #tpu.memory_space<vmem>>, %arg5: memref<8x512xbf16, #tpu.memory_space<vmem>>, %arg6: memref<512x8xf32, #tpu.memory_space<vmem>>, %arg7: memref<8x512xf32, #tpu.memory_space<vmem>>, %arg8: memref<512x8xi32, #tpu.memory_space<vmem>>, %arg9: memref<512x8xf32, #tpu.memory_space<vmem>>, %arg10: memref<1x512xf32, #tpu.memory_space<vmem>>) attributes {dimension_semantics = [#tpu.dimension_semantics<arbitrary>], iteration_bounds = array<i64: 64>, scalar_prefetch = 0 : i64, scratch_operands = 1 : i64, tpu.core_type = #tpu.core_type<tc>, window_params = [{pipeline_mode = #tpu.pipeline_mode<synchronous>, transform_indices = @transform_0, window_bounds = array<i64: 8, 512>}, {transform_indices = @transform_1, window_bounds = array<i64: 512, 8>}, {transform_indices = @transform_2, window_bounds = array<i64: 512, 8>}, {pipeline_mode = #tpu.pipeline_mode<synchronous>, transform_indices = @transform_3, window_bounds = array<i64: 512, 512>}, {pipeline_mode = #tpu.pipeline_mode<synchronous>, transform_indices = @transform_4, window_bounds = array<i64: 8, 512>}, {pipeline_mode = #tpu.pipeline_mode<synchronous>, transform_indices = @transform_5, window_bounds = array<i64: 512, 8>}, {pipeline_mode = #tpu.pipeline_mode<synchronous>, transform_indices = @transform_6, window_bounds = array<i64: 8, 512>}, {transform_indices = @transform_7, window_bounds = array<i64: 512, 8>}, {transform_indices = @transform_8, window_bounds = array<i64: 512, 8>}]} {
    %eq3A = arith.constant 0 : i32
    %eq3A_0 = arith.cmpi eq, %arg0, %eq3A : i32
    %convert_element_type3A = arith.extui %eq3A_0 : i1 to i32
    %cond3A = arith.constant 0 : i32
    %cond3A_1 = arith.cmpi ne, %convert_element_type3A, %cond3A : i32
    scf.if %cond3A_1 {
      %get3A_53 = arith.constant 0 : index
      %get3A_54 = arith.constant 0 : index
      %get3A_55 = vector.load %arg1[%get3A_53, %get3A_54] : memref<8x512xi32, #tpu.memory_space<vmem>>, vector<1x512xi32>
      %convert_element_type3A_56 = arith.sitofp %get3A_55 : vector<1x512xi32> to vector<1x512xf32>
      %broadcast_in_dim3A = arith.constant 0.000000e+00 : f32
      %broadcast_in_dim3A_57 = vector.broadcast %broadcast_in_dim3A : f32 to vector<1x64xf32>
      %slice3A_58 = vector.extract_strided_slice %convert_element_type3A_56 {offsets = [0, 0], sizes = [1, 448], strides = [1, 1]} : vector<1x512xf32> to vector<1x448xf32>
      %concatenate3A = tpu.concatenate %broadcast_in_dim3A_57, %slice3A_58 in 1 : vector<1x64xf32>, vector<1x448xf32> -> vector<1x512xf32>
      %add3A_59 = arith.addf %convert_element_type3A_56, %concatenate3A : vector<1x512xf32>
      %broadcast_in_dim3A_60 = arith.constant 0.000000e+00 : f32
      %broadcast_in_dim3A_61 = vector.broadcast %broadcast_in_dim3A_60 : f32 to vector<1x128xf32>
      %slice3A_62 = vector.extract_strided_slice %add3A_59 {offsets = [0, 0], sizes = [1, 384], strides = [1, 1]} : vector<1x512xf32> to vector<1x384xf32>
      %concatenate3A_63 = tpu.concatenate %broadcast_in_dim3A_61, %slice3A_62 in 1 : vector<1x128xf32>, vector<1x384xf32> -> vector<1x512xf32>
      %add3A_64 = arith.addf %add3A_59, %concatenate3A_63 : vector<1x512xf32>
      %broadcast_in_dim3A_65 = arith.constant 0.000000e+00 : f32
      %broadcast_in_dim3A_66 = vector.broadcast %broadcast_in_dim3A_65 : f32 to vector<1x256xf32>
      %slice3A_67 = vector.extract_strided_slice %add3A_64 {offsets = [0, 0], sizes = [1, 256], strides = [1, 1]} : vector<1x512xf32> to vector<1x256xf32>
      %concatenate3A_68 = tpu.concatenate %broadcast_in_dim3A_66, %slice3A_67 in 1 : vector<1x256xf32>, vector<1x256xf32> -> vector<1x512xf32>
      %add3A_69 = arith.addf %add3A_64, %concatenate3A_68 : vector<1x512xf32>
      %sub3A_70 = arith.subf %add3A_69, %convert_element_type3A_56 : vector<1x512xf32>
      %swap3A_71 = arith.constant 0 : index
      %swap3A_72 = arith.constant 0 : index
      %swap3A_73 = vector.load %arg10[%swap3A_71, %swap3A_72] : memref<1x512xf32, #tpu.memory_space<vmem>>, vector<1x512xf32>
      tpu.vector_store %arg10[%swap3A_71, %swap3A_72], %sub3A_70 {strides = array<i32>} : memref<1x512xf32, #tpu.memory_space<vmem>>, vector<1x512xf32>,
    } else {
    }
    %get3A = arith.constant 0 : index
    %get3A_2 = arith.constant 0 : index
    %get3A_3 = vector.load %arg2[%get3A, %get3A_2] : memref<512x8xi32, #tpu.memory_space<vmem>>, vector<512x8xi32>
    %convert_element_type3A_4 = arith.sitofp %get3A_3 : vector<512x8xi32> to vector<512x8xbf16>
    %get3A_5 = arith.constant 0 : index
    %get3A_6 = arith.constant 0 : index
    %get3A_7 = vector.load %arg5[%get3A_5, %get3A_6] : memref<8x512xbf16, #tpu.memory_space<vmem>>, vector<8x512xbf16>
    %dot_general3A = arith.constant dense<0.000000e+00> : vector<512x512xf32>
    %dot_general3A_8 = tpu.matmul %convert_element_type3A_4, %get3A_7, %dot_general3A {dimension_numbers = #tpu.dot_dimension_numbers<[1], [0], [0], [1], [0, 0, 1, 1], [], []>, transpose_lhs_hint = false} : vector<512x8xbf16>, vector<8x512xbf16>, vector<512x512xf32> -> vector<512x512xf32>
    %iota3A = tpu.iota {dimensions = array<i32: 1>} : vector<512x512xi32>
    %and3A = arith.constant 63 : i32
    %and3A_9 = vector.broadcast %and3A : i32 to vector<512x512xi32>
    %and3A_10 = arith.andi %iota3A, %and3A_9 : vector<512x512xi32>
    %convert_element_type3A_11 = arith.sitofp %and3A_10 : vector<512x512xi32> to vector<512x512xf32>
    %eq3A_12 = arith.cmpf oeq, %dot_general3A_8, %convert_element_type3A_11 : vector<512x512xf32>
    %convert_element_type3A_13 = arith.extui %eq3A_12 : vector<512x512xi1> to vector<512x512xi32>
    %convert_element_type3A_14 = arith.sitofp %convert_element_type3A_13 : vector<512x512xi32> to vector<512x512xf32>
    %get3A_15 = arith.constant 0 : index
    %get3A_16 = arith.constant 0 : index
    %get3A_17 = vector.load %arg4[%get3A_15, %get3A_16] : memref<512x512xbf16, #tpu.memory_space<vmem>>, vector<512x512xbf16>
    %convert_element_type3A_18 = arith.truncf %convert_element_type3A_14 : vector<512x512xf32> to vector<512x512xbf16>
    %dot_general3A_19 = arith.constant dense<0.000000e+00> : vector<512x512xf32>
    %dot_general3A_20 = tpu.matmul %get3A_17, %convert_element_type3A_18, %dot_general3A_19 {dimension_numbers = #tpu.dot_dimension_numbers<[1], [0], [0], [1], [0, 0, 1, 1], [], []>, transpose_lhs_hint = false} : vector<512x512xbf16>, vector<512x512xbf16>, vector<512x512xf32> -> vector<512x512xf32>
    %get3A_21 = arith.constant 0 : index
    %get3A_22 = arith.constant 0 : index
    %get3A_23 = vector.load %arg10[%get3A_21, %get3A_22] : memref<1x512xf32, #tpu.memory_space<vmem>>, vector<1x512xf32>
    %add3A = vector.broadcast %get3A_23 : vector<1x512xf32> to vector<512x512xf32>
    %add3A_24 = arith.addf %dot_general3A_20, %add3A : vector<512x512xf32>
    %mul3A = arith.mulf %convert_element_type3A_14, %add3A_24 : vector<512x512xf32>
    %get3A_25 = arith.constant 0 : index
    %get3A_26 = arith.constant 0 : index
    %get3A_27 = vector.load %arg6[%get3A_25, %get3A_26] : memref<512x8xf32, #tpu.memory_space<vmem>>, vector<512x8xf32>
    %dot_general3A_28 = arith.constant dense<0.000000e+00> : vector<512x8xf32>
    %dot_general3A_29 = tpu.matmul %mul3A, %get3A_27, %dot_general3A_28 {dimension_numbers = #tpu.dot_dimension_numbers<[1], [0], [0], [1], [0, 0, 1, 1], [], []>, precision = #tpu.contract_precision<fp32>, transpose_lhs_hint = false} : vector<512x512xf32>, vector<512x8xf32>, vector<512x8xf32> -> vector<512x8xf32>
    %convert_element_type3A_30 = arith.fptosi %dot_general3A_29 : vector<512x8xf32> to vector<512x8xi32>
    %sub3A = arith.constant 1 : i32
    %sub3A_31 = vector.broadcast %sub3A : i32 to vector<512x8xi32>
    %sub3A_32 = arith.subi %convert_element_type3A_30, %sub3A_31 : vector<512x8xi32>
    %lt3A = arith.constant 5120 : i32
    %lt3A_33 = vector.broadcast %lt3A : i32 to vector<512x8xi32>
    %lt3A_34 = arith.cmpi slt, %sub3A_32, %lt3A_33 : vector<512x8xi32>
    %get3A_35 = arith.constant 0 : index
    %get3A_36 = arith.constant 0 : index
    %get3A_37 = vector.load %arg10[%get3A_35, %get3A_36] : memref<1x512xf32, #tpu.memory_space<vmem>>, vector<1x512xf32>
    %slice3A = vector.extract_strided_slice %dot_general3A_20 {offsets = [511, 0], sizes = [1, 512], strides = [1, 1]} : vector<512x512xf32> to vector<1x512xf32>
    %add3A_38 = arith.addf %get3A_37, %slice3A : vector<1x512xf32>
    %swap3A = arith.constant 0 : index
    %swap3A_39 = arith.constant 0 : index
    %swap3A_40 = vector.load %arg10[%swap3A, %swap3A_39] : memref<1x512xf32, #tpu.memory_space<vmem>>, vector<1x512xf32>
    tpu.vector_store %arg10[%swap3A, %swap3A_39], %add3A_38 {strides = array<i32>} : memref<1x512xf32, #tpu.memory_space<vmem>>, vector<1x512xf32>,
    %swap3A_41 = arith.constant 0 : index
    %swap3A_42 = arith.constant 0 : index
    %swap3A_43 = vector.load %arg8[%swap3A_41, %swap3A_42] : memref<512x8xi32, #tpu.memory_space<vmem>>, vector<512x8xi32>
    tpu.vector_store %arg8[%swap3A_41, %swap3A_42], %sub3A_32 {strides = array<i32>} : memref<512x8xi32, #tpu.memory_space<vmem>>, vector<512x8xi32>,
    %get3A_44 = arith.constant 0 : index
    %get3A_45 = arith.constant 0 : index
    %get3A_46 = vector.load %arg3[%get3A_44, %get3A_45] : memref<512x8xf32, #tpu.memory_space<vmem>>, vector<512x8xf32>
    %convert_element_type3A_47 = arith.extui %lt3A_34 : vector<512x8xi1> to vector<512x8xi32>
    %convert_element_type3A_48 = arith.sitofp %convert_element_type3A_47 : vector<512x8xi32> to vector<512x8xf32>
    %mul3A_49 = arith.mulf %get3A_46, %convert_element_type3A_48 : vector<512x8xf32>
    %swap3A_50 = arith.constant 0 : index
    %swap3A_51 = arith.constant 0 : index
    %swap3A_52 = vector.load %arg9[%swap3A_50, %swap3A_51] : memref<512x8xf32, #tpu.memory_space<vmem>>, vector<512x8xf32>
    tpu.vector_store %arg9[%swap3A_50, %swap3A_51], %mul3A_49 {strides = array<i32>} : memref<512x8xf32, #tpu.memory_space<vmem>>, vector<512x8xf32>,
    return
  }
  func.func @transform_0(%arg0: i32) -> (i32, i32) {
    %c0_i32 = arith.constant 0 : i32
    %c0_i32_0 = arith.constant 0 : i32
    %c0_i32_1 = arith.constant 0 : i32
    return %c0_i32, %c0_i32_0 : i32, i32
  }
  func.func @transform_1(%arg0: i32) -> (i32, i32) {
    %c0_i32 = arith.constant 0 : i32
    %c0_i32_0 = arith.constant 0 : i32
    return %arg0, %c0_i32 : i32, i32
  }
  func.func @transform_2(%arg0: i32) -> (i32, i32) {
    %c0_i32 = arith.constant 0 : i32
    %c0_i32_0 = arith.constant 0 : i32
    return %arg0, %c0_i32 : i32, i32
  }
  func.func @transform_3(%arg0: i32) -> (i32, i32) {
    %c0_i32 = arith.constant 0 : i32
    %c0_i32_0 = arith.constant 0 : i32
    %c0_i32_1 = arith.constant 0 : i32
    return %c0_i32, %c0_i32_0 : i32, i32
  }
  func.func @transform_4(%arg0: i32) -> (i32, i32) {
    %c0_i32 = arith.constant 0 : i32
    %c0_i32_0 = arith.constant 0 : i32
    %c0_i32_1 = arith.constant 0 : i32
    return %c0_i32, %c0_i32_0 : i32, i32
  }
  func.func @transform_5(%arg0: i32) -> (i32, i32) {
    %c0_i32 = arith.constant 0 : i32
    %c0_i32_0 = arith.constant 0 : i32
    %c0_i32_1 = arith.constant 0 : i32
    return %c0_i32, %c0_i32_0 : i32, i32
  }
  func.func @transform_6(%arg0: i32) -> (i32, i32) {
    %c0_i32 = arith.constant 0 : i32
    %c0_i32_0 = arith.constant 0 : i32
    %c0_i32_1 = arith.constant 0 : i32
    return %c0_i32, %c0_i32_0 : i32, i32
  }
  func.func @transform_7(%arg0: i32) -> (i32, i32) {
    %c0_i32 = arith.constant 0 : i32
    %c0_i32_0 = arith.constant 0 : i32
    return %arg0, %c0_i32 : i32, i32
  }
  func.func @transform_8(%arg0: i32) -> (i32, i32) {
    %c0_i32 = arith.constant 0 : i32
    %c0_i32_0 = arith.constant 0 : i32
    return %arg0, %c0_i32 : i32, i32
  }
}

</mosaic_0001>

<sc_bundles>
// kernel: kernel.6.cloned.1.call-start
scs
__scs_entry_jumppad:
0x0: {  	(pc) =	sbr.rel $0x88, $3  }
0x1: {  	(tag) =	ssettag $0x0;
	lr =	simm.s32 $0x1  }
0x2: {  	[smem:$0x3F9F] =	sst lr;
	_ =	strace $0xD0000000  }
0x3: {  	_ = 	snop  }
0x4: {  	_ = 	snop  }
0x5: {  	_ = 	snop  }
0x6: {  	_ = 	snop  }
0x7: {  	_ = 	snop  }
__scs_overlays_trampoline_lowered:
0x8: {  	[smem:$0x3FAE] =	sst s0  }
0x9: {  	[smem:$0x3FAF] =	sst s1  }
0xa: {  	[smem:$0x3FB0] =	sst s2  }
0xb: {  	[smem:$0x3FB1] =	sst s3  }
0xc: {  	[smem:$0x3FB2] =	sst s4  }
0xd: {  	[smem:$0x3FB3] =	sst s5  }
0xe: {  	[smem:$0x3FB4] =	sst s6  }
0xf: {  	[smem:$0x3FB5] =	sst s7  }
0x10: {  	[smem:$0x3FB6] =	sst s8  }
0x11: {  	[smem:$0x3FB7] =	sst s9;
	s0 =	simm.s32 @!p0 $0x0  }
0x12: {  	s1 =	sld [smem:$0x3F9D];
	s0 =	simm.s32 @p0 $0x1  }
0x13: {  	[smem:$0x3FB8] =	sst s0;
	s0 =	simm.s32 @!p1 $0x0  }
0x14: {  	s2 =	sld [smem:$0x3F9C];
	s0 =	simm.s32 @p1 $0x1  }
0x15: {  	[smem:$0x3FB9] =	sst s0;
	s0 =	simm.s32 @!p2 $0x0  }
0x16: {  	s3 =	sld [smem:$0x3FDB];
	s0 =	simm.s32 @p2 $0x1  }
0x17: {  	s4 =	simm.s32 $0x1BF5;
	[smem:$0x3FBB] =	sst s0  }
0x18: {  	s0 =	sld [smem:$0x3F9E];
	_ =	swait.ge [sflag:s4], $0x0  }
0x19: {  	s7 =	sld [smem:$0x3F9F]  }
0x1a: {  	s8 =	sadd.s32 $0xFFFFE003, lr  }
0x1b: {  	s9 =	sadd.s32 $0xFFFFFEF7, lr;
	s5 =	simm.s32 $0xFFFFFFFF;
	p2 =	slt.u32 s8, $0xFFFFF086  }
0x1c: {  	p1 =	slt.u32 s9, $0xF7A;
	s5 =	simm.s32 @!p2 $0x0  }
0x1d: {  	s5 =	simm.s32 @p1 $0x1;
	p0 =	seq.s32 s7, s2  }
0x1e: {  	s7 =	smul.u32 @!p0 $0xF7A, s2;
	p2 =	seq.s32 @!p0 s5, $0x0  }
0x1f: {  	s9 =	smul.u32 $0xF7A, s1;
	s8 =	simm.s32 @!p0 $0x1BF5;
	p2 =	por !p2, p0  }
0x20: {  	[sflag:s8] =	ssyncset.s32 @!p0 $0xFFFFF086;
	s6 =	sadd.s32 @!p0 s3, s7;
	s7 =	simm.s32 @!p0 $0x108  }
0x21: {  	s3 =	sadd.s32 s3, s9;
	s6 =	sadd.s32 @!p0 $0x88, s6;
	s7 =	simm.s32 @p2 $0x1082  }
0x22: {  	[simem:s7], [sflag:s8] =	dma.local @!p0 [hbm:s6], $0xF7A  }
0x23: {  	s9 =	sor.u32 $0xD0000000, s2;
	s6 =	simm.s32 $0x108;
	_ =	swait.ge @!p0 [sflag:s8], $0x0  }
0x24: {  	s3 =	sadd.s32 $0x88, s3;
	s6 =	simm.s32 @!p1 $0x1082;
	[sflag:s4] =	ssyncset.s32 $0xFFFFF086  }
0x25: {  	[simem:s6], [sflag:s4] =	dma.local [hbm:s3], $0xF7A  }
0x26: {  	[smem:$0x3F9F] =	sst s1;
	(tag) =	ssettag s2;
	_ =	strace s9  }
0x27: {  	s1 =	sld [smem:$0x3FAF]  }
0x28: {  	s2 =	sld [smem:$0x3FB0]  }
0x29: {  	s4 =	sld [smem:$0x3FB2]  }
0x2a: {  	p0 =	seq.s32 s5, $0x0;
	s5 =	sld [smem:$0x3FB3]  }
0x2b: {  	s6 =	sld [smem:$0x3FB4]  }
0x2c: {  	s7 =	sld [smem:$0x3FB5]  }
0x2d: {  	s3 =	simm.s32 $0x108;
	s8 =	sld [smem:$0x3FB6]  }
0x2e: {  	s3 =	simm.s32 @!p0 $0x1082;
	s9 =	sld [smem:$0x3FB7]  }
0x2f: {  	lr =	sadd.s32 s0, s3;
	s0 =	sld [smem:$0x3FAE]  }
0x30: {  	s3 =	sld [smem:$0x3FB1]  }
0x31: {  	[smem:$0x3FBA] =	sst s10  }
0x32: {  	s10 =	sld [smem:$0x3FB8];
	_ =	sdelay $0x3  }
0x33: {  	p0 =	seq.s32 s10, $0x1;
	s10 =	sld [smem:$0x3FBA];
	_ =	sdelay $0x3  }
0x34: {  	[smem:$0x3FBA] =	sst s10  }
0x35: {  	s10 =	sld [smem:$0x3FB9];
	_ =	sdelay $0x3  }
0x36: {  	p1 =	seq.s32 s10, $0x1;
	s10 =	sld [smem:$0x3FBA];
	_ =	sdelay $0x3  }
0x37: {  	[smem:$0x3FBA] =	sst s10  }
0x38: {  	s10 =	sld [smem:$0x3FBB]  }
0x39: {  	_ = 	snop;
	(pc) =	sbr.ind lr, $3  }
0x3a: {  	_ = 	snop  }
0x3b: {  	_ = 	snop  }
0x3c: {  	p2 =	seq.s32 s10, $0x1;
	s10 =	sld [smem:$0x3FBA]  }
0x3d: {  	_ =	shalt  }
0x3e: {  	_ =	shalt  }
0x3f: {  	_ =	shalt  }
0x40: {  	_ =	shalt  }
0x41: {  	_ =	shalt  }
0x42: {  	_ =	shalt  }
0x43: {  	_ =	shalt  }
0x44: {  	_ =	shalt  }
0x45: {  	_ =	shalt  }
0x46: {  	_ =	shalt  }
0x47: {  	_ =	shalt  }
0x48: {  	_ =	shalt  }
0x49: {  	_ =	shalt  }
0x4a: {  	_ =	shalt  }
0x4b: {  	_ =	shalt  }
0x4c: {  	_ =	shalt  }
0x4d: {  	_ =	shalt  }
0x4e: {  	_ =	shalt  }
0x4f: {  	_ =	shalt  }
0x50: {  	_ =	shalt  }
0x51: {  	_ =	shalt  }
0x52: {  	_ =	shalt  }
0x53: {  	_ =	shalt  }
0x54: {  	_ =	shalt  }
0x55: {  	_ =	shalt  }
0x56: {  	_ =	shalt  }
0x57: {  	_ =	shalt  }
0x58: {  	_ =	shalt  }
0x59: {  	_ =	shalt  }
0x5a: {  	_ =	shalt  }
0x5b: {  	_ =	shalt  }
0x5c: {  	_ =	shalt  }
0x5d: {  	_ =	shalt  }
0x5e: {  	_ =	shalt  }
0x5f: {  	_ =	shalt  }
0x60: {  	_ =	shalt  }
0x61: {  	_ =	shalt  }
0x62: {  	_ =	shalt  }
0x63: {  	_ =	shalt  }
0x64: {  	_ =	shalt  }
0x65: {  	_ =	shalt  }
0x66: {  	_ =	shalt  }
0x67: {  	_ =	shalt  }
0x68: {  	_ =	shalt  }
0x69: {  	_ =	shalt  }
0x6a: {  	_ =	shalt  }
0x6b: {  	_ =	shalt  }
0x6c: {  	_ =	shalt  }
0x6d: {  	_ =	shalt  }
0x6e: {  	_ =	shalt  }
0x6f: {  	_ =	shalt  }
0x70: {  	_ =	shalt  }
0x71: {  	_ =	shalt  }
0x72: {  	_ =	shalt  }
0x73: {  	_ =	shalt  }
0x74: {  	_ =	shalt  }
0x75: {  	_ =	shalt  }
0x76: {  	_ =	shalt  }
0x77: {  	_ =	shalt  }
0x78: {  	_ =	shalt  }
0x79: {  	_ =	shalt  }
0x7a: {  	_ =	shalt  }
0x7b: {  	_ =	shalt  }
0x7c: {  	_ =	shalt  }
0x7d: {  	_ =	shalt  }
0x7e: {  	_ =	shalt  }
0x7f: {  	_ =	shalt  }
0x80: {  	_ =	shalt  }
0x81: {  	_ =	shalt  }
0x82: {  	_ =	shalt  }
0x83: {  	_ =	shalt  }
0x84: {  	_ =	shalt  }
0x85: {  	_ =	shalt  }
0x86: {  	_ =	shalt  }
0x87: {  	_ =	shalt  }
.Lfunc_end0:
.L_simem_size_0:
called_computation.1_lowered:
.L_overlay_start_0:
0x88: {  	s2 =	sld [smem:$0x3FD9]  }
0x89: {  	s3 =	sld [smem:$0x3FFE];
	_ =	sdelay $0x1  }
0x8a: {  	s1 =	srdreg.scid  }
0x8b: {  	s0 =	sand.u32 $0x1, s1  }
0x8c: {  	s14 =	sshll.u32 s0, $0xA;
	s2 =	sadd.s32 s3, s2  }
0x8d: {  	s2 =	sadd.s32 s2, s14  }
0x8e: {  	[smem:$0x3FC6] =	sst s2  }
0x8f: {  	_ = 	snop  }
0x90: {  	s2 =	sld [smem:$0x3FD0];
	_ =	sdelay $0x2  }
0x91: {  	s15 =	simm.s32 $0xA;
	s4 =	simm.s32 $0x10  }
0x92: {  	[smem:s4], [sflag:s15] =	dma.local [hbm:s2], $0x1  }
0x93: {  	_ =	swait.eq [sflag:s15], $0x1  }
0x94: {  	s16 =	sld [smem:$0x10]  }
0x95: {  	s17 =	sld [smem:$0x11];
	[sflag:s15] =	ssyncset.done $0x0  }
0x96: {  	s5 =	sld [smem:$0x12];
	[sflag:s15] =	ssyncadd.s32 $0xFFFFFFFF  }
0x97: {  	s18 =	sld [smem:$0x13];
	(tm) =	ssettm $0x1  }
0x98: {  	s6 =	sld [smem:$0x3FFB];
	_ =	sdelay $0x3  }
0x99: {  	_ =	strace s6  }
0x9a: {  	s6 =	sld [smem:$0x3FFC];
	_ =	sdelay $0x3  }
0x9b: {  	_ =	strace s6  }
0x9c: {  	s6 =	sld [smem:$0x3FFD];
	_ =	sdelay $0x3  }
0x9d: {  	_ =	strace s6  }
0x9e: {  	_ =	strace $0x8FFFFFFF  }
0x9f: {  	s19 =	sld [smem:$0x3FDB];
	_ =	sdelay $0x1  }
0xa0: {  	s7 =	simm.s32 $_scs_section_size  }
0xa1: {  	s8 =	simm.s32 $_size__tile_overlayer_lowered;
	s9 =	simm.s32 $_tile_overlayer_lowered  }
0xa2: {  	s22 =	simm.s32 $0x1BFF;
	s21 =	sshll.u32 s9, $0x1;
	s6 =	sadd.s32 s7, s19  }
0xa3: {  	s10 =	simm.s32 $0x0;
	s20 =	sshll.u32 s8, $0x1;
	s8 =	sadd.s32 s21, s6  }
0xa4: {  	[timem:s10], [sflag:s22] =	dma.local [hbm:s8], s20  }
0xa5: {  	_ =	swait.ge [sflag:s22], s20  }
0xa6: {  	s7 =	ssub.s32 $0x0, s20;
	[sflag:s22] =	ssyncset.done $0x0  }
0xa7: {  	[sflag:s22] =	ssyncadd.s32 s7;
	_ =	sdelay $0x1  }
0xa8: {  	s23 =	simm.s32 $0x1B8B  }
0xa9: {  	_ =	swait.ge [sflag:s23], $0x1  }
0xaa: {  	[sflag:s23] =	ssyncset.done $0x0  }
0xab: {  	s25 =	simm.s32 $0x1B8E;
	s24 =	sld [smem:$0x3FFE];
	[sflag:s23] =	ssyncadd.s32 $0xFFFFFFFF  }
0xac: {  	s26 =	simm.s32 $execute0_lowered;
	[smem:$0x3FD2] =	sst s25  }
0xad: {  	s8 =	sshll.u32 s26, $0x1;
	_ =	strace $0x80000046;
	[dreg:$0x1] =	wrdreg $0xFFFFFFFF  }
0xae: {  	s28 =	simm.s32 $_size_execute0_lowered;
	s6 =	sadd.s32 s6, s8;
	[dreg:$0x0] =	wrdreg $0x0  }
0xaf: {  	s8 =	sshll.u32 s28, $0x1;
	[dreg:$0x2] =	wrdreg s6  }
0xb0: {  	[dreg:$0x3] =	wrdreg s8  }
0xb1: {  	[dreg:$0x4] =	wrdreg $0xC0  }
0xb2: {  	_ =	task [dreg:s10], $0x5FFFF  }
0xb3: {  	[dreg:$0x1] =	wrdreg $0xFFFFFFFF  }
0xb4: {  	[dreg:$0x0] =	wrdreg $0x60  }
0xb5: {  	[dreg:$0x2] =	wrdreg s18  }
0xb6: {  	[dreg:$0x3] =	wrdreg s5  }
0xb7: {  	[dreg:$0x4] =	wrdreg s17  }
0xb8: {  	[dreg:$0x5] =	wrdreg s24  }
0xb9: {  	[dreg:$0x6] =	wrdreg s16  }
0xba: {  	[dreg:$0x7] =	wrdreg $0x9  }
0xbb: {  	_ =	task.clear_ibuf [dreg:s10], $0x8FFFF;
	_ =	strace $0x90000046  }
0xbc: {  	s29 =	simm.s32 $0x9;
	_ =	strace $0x80000048  }
0xbd: {  	_ =	swait.ge [sflag:s29], $0x1  }
0xbe: {  	[sflag:s29] =	ssyncadd.s32 $0xFFFFFFFF  }
0xbf: {  	_ =	strace $0x90000048  }
0xc0: {  	_ =	sfence  }
0xc1: {  	s30 =	sld [smem:$0x0];
	_ =	sdelay $0x2  }
0xc2: {  	s31 =	sshll.u32 s1, $0xD;
	s1 =	sshrl.u32 s1, $0x2  }
0xc3: {  	s3 =	sand.u32 $0x4000, s31;
	s1 =	sadd.s32 s1, s30  }
0xc4: {  	s0 =	sor.u32 s3, s0;
	s1 =	sshll.u32 s1, $0x11  }
0xc5: {  	s0 =	sor.u32 s1, s0  }
0xc6: {  	s0 =	sadd.s32 $0x8F2B, s0  }
0xc7: {  	[sflag:s0] =	ssyncadd.remote.s32 $0x1  }
0xc8: {  	_ =	sfence.sel $0xFFFF  }
0xc9: {  	[dreg:$0x0] =	wrdreg $0xFFFFFFFF;
	(pc) =	sbr.abs _section_cstart, $3  }
0xca: {  	[dreg:$0x1] =	wrdreg $0xFFFFFFFF  }
0xcb: {  	_ =	task.clear_ibuf [dreg:s10], $0x2FFFF;
	_ =	strace $0x9FFFFFFF  }
0xcc: {  	(tm) =	ssettm $0x7FFFFFFF  }
0xcd: {  	_ =	shalt  }
tec
execute0_lowered:
.L_overlay_start_1:
0x0: {  	(tag) =	ssettag $0x1  }
0x1: {  	s0 =	srdreg.scid  }
0x2: {  	s1 =	stileid.u32;
	s2 =	rddreg [dreg:$0x0]  }
0x3: {  	s16 =	rddreg [dreg:$0x1];
	s0 =	sand.u32 $0x1, s0;
	s1 =	sshll.u32 s1, $0x1  }
0x4: {  	s31 =	simm.s32 $0x1;
	s1 =	sor.u32 s0, s1;
	s0 =	ssub.s32 $0x2, s0  }
0x5: {  	s11 =	sshll.u32 s1, $0x3;
	s3 =	sshrl.u32 s0, $0x1;
	s4 =	sshll.u32 s1, $0xA  }
0x6: {  	s28 =	sshllo.u32 s1, $0x3;
	s1 =	sshll.u32 s1, $0x10;
	s19 =	sor.u32 $0x1, s11  }
0x7: {  	s0 =	ssub.s32 s0, s3;
	s17 =	sadd.s32 s2, s4;
	s18 =	sadd.s32 s16, s4  }
0x8: {  	s20 =	sor.u32 $0x2, s11;
	s21 =	sor.u32 $0x3, s11;
	s22 =	sor.u32 $0x4, s11  }
0x9: {  	s23 =	sor.u32 $0x5, s11;
	s24 =	sor.u32 $0x6, s11;
	[dreg:$0x6] =	wrdreg s17  }
0xa: {  	s5 =	sshll.u32 s19, $0x7;
	[dreg:$0x7] =	wrdreg s18;
	s6 =	sshll.u32 s20, $0x7  }
0xb: {  	s8 =	sshll.u32 s21, $0x7;
	s10 =	sshll.u32 s22, $0x7;
	s12 =	sshll.u32 s23, $0x7  }
0xc: {  	s14 =	sshll.u32 s24, $0x7;
	s17 =	sshll.u32 s28, $0x7;
	s19 =	sshll.u32 s19, $0xD  }
0xd: {  	s20 =	sshll.u32 s20, $0xD;
	s21 =	sshll.u32 s21, $0xD;
	s22 =	sshll.u32 s22, $0xD  }
0xe: {  	s25 =	sshll.u32 s23, $0xD;
	s26 =	sshll.u32 s24, $0xD;
	s23 =	rddreg [dreg:$0x3]  }
0xf: {  	s24 =	sshll.u32 s28, $0xD;
	s30 =	smax.u32 s0, $0x1;
	s3 =	sadd.s32 s2, s5  }
0x10: {  	s4 =	sadd.s32 s16, s5;
	s5 =	sadd.s32 s2, s6;
	s6 =	sadd.s32 s16, s6  }
0x11: {  	s7 =	sadd.s32 s2, s8;
	s8 =	sadd.s32 s16, s8;
	s9 =	sadd.s32 s2, s10  }
0x12: {  	s10 =	sadd.s32 s16, s10;
	s11 =	sadd.s32 s2, s12;
	s12 =	sadd.s32 s16, s12  }
0x13: {  	s13 =	sadd.s32 s2, s14;
	s14 =	sadd.s32 s16, s14;
	s15 =	sadd.s32 s2, s17  }
0x14: {  	s16 =	sadd.s32 s16, s17;
	s2 =	rddreg [dreg:$0x4];
	s17 =	simm.s32 $0x0  }
0x15: {  	s29 =	sadd.s32 $0x1600, s23;
	s23 =	simm.s32 $0x0;
	[smem:$0x7FF] =	sst s17  }
0x16: {  	s18 =	sadd.s32 s2, s1;
	s19 =	sadd.s32 s2, s19;
	s20 =	sadd.s32 s2, s20  }
0x17: {  	s21 =	sadd.s32 s2, s21;
	s22 =	sadd.s32 s2, s22;
	s25 =	sadd.s32 s2, s25  }
0x18: {  	v0 =	vimm.s32 $0x0;
	s26 =	sadd.s32 s2, s26;
	s28 =	sadd.s32 s2, s24;
	_ =	strace $0x80000047  }
.LBB2_1:
0x19: {  	s0 =	rddreg [dreg:$0x2]  }
0x1a: {  	[tilespmem:s17], [sflag:$0x1] =	stream.linear.gather [hbm4b:s0+s17], $0x10000, $0x38;
	[tilespmem:$0x10C00] =	vst v63  }
0x1b: {  	_ =	swait.ge [sflag:s31], $0x10000  }
0x1c: {  	[sflag:s31] =	ssyncset.done $0x0  }
0x1d: {  	s0 =	simm.s32 $0x10800;
	[sflag:s31] =	ssyncadd.s32 $0xFFFF0000  }
0x1e: {  	[tilespmem:s0], [sflag:$0x1] =	stream.linear.gather [hbm4b:s29+s17], $0x400, $0x38;
	[tilespmem:$0x10C00] =	vst v63  }
0x1f: {  	_ =	swait.ge [sflag:s31], $0x400  }
0x20: {  	[sflag:s31] =	ssyncset.done $0x0  }
0x21: {  	s1 =	simm.s32 $0x10000;
	s2 =	rddreg [dreg:$0x6];
	[sflag:s31] =	ssyncadd.s32 $0xFFFFFC00  }
0x22: {  	[tilespmem:s1], [sflag:$0x1] =	stream.linear.gather [hbm4b:s2+s17], $0x400, $0x38;
	[tilespmem:$0x10C00] =	vst v63  }
0x23: {  	_ =	swait.ge [sflag:s31], $0x400  }
0x24: {  	[sflag:s31] =	ssyncset.done $0x0  }
0x25: {  	s2 =	simm.s32 $0x10400;
	s24 =	rddreg [dreg:$0x7];
	[sflag:s31] =	ssyncadd.s32 $0xFFFFFC00  }
0x26: {  	[tilespmem:s2], [sflag:$0x1] =	stream.linear.gather [hbm4b:s24+s17], $0x400, $0x38;
	[tilespmem:$0x10C00] =	vst v63  }
0x27: {  	_ =	swait.ge [sflag:s31], $0x400  }
0x28: {  	[sflag:s31] =	ssyncset.done $0x0  }
0x29: {  	[sflag:s31] =	ssyncadd.s32 $0xFFFFFC00  }
0x2a: {  	v3 =	vld [tilespmem:s0+$0x0]  }
0x2b: {  	v5 =	vld [tilespmem:s1+$0x0];
	_ =	sdelay $0x1  }
0x2c: {  	v4 =	vld [tilespmem:s2+$0x0];
	_ =	sdelay $0x1  }
0x2d: {  	s24 =	simm.s32 $0x10010  }
0x2e: {  	s0 =	simm.s32 $0x10810;
	v2 =	vld [tilespmem:s24+$0x0];
	v3 =	vadd.s32 v3, v5  }
0x2f: {  	v1 =	vld [tilespmem:s0+$0x0]  }
0x30: {  	s1 =	simm.s32 $0x10410;
	v6 =	vadd.s32 $0xFFFFEC00, v4  }
0x31: {  	s2 =	simm.s32 $0x10;
	v4 =	vld [tilespmem:s1+$0x0];
	v5 =	vshrl.u32 v6, $0x1F  }
.LBB2_2:
0x32: {  	s2 =	sadd.s32 $0x10, s2  }
0x33: {  	s0 =	sadd.s32 $0x10, s0;
	[tilespmem:v3+s17+$0x0] =	vst.idx.msk $0xffff, v5;
	p0 =	slt.u32 s2, $0x3F0  }
.Ltmp0:
0x34: {  	s24 =	sadd.s32 $0x10, s24;
	v3 =	vadd.s32 v1, v2;
	v1 =	vld [tilespmem:s0+$0x0];
	(pc) =	sbr.rel @p0 .LBB2_2-.Ltmp0, $3  }
0x35: {  	v2 =	vld [tilespmem:s24+$0x0];
	_ =	sdelay $0x1  }
0x36: {  	s1 =	sadd.s32 $0x10, s1;
	v5 =	vadd.s32 $0xFFFFEC00, v4  }
0x37: {  	v4 =	vld [tilespmem:s1+$0x0];
	v5 =	vshrl.u32 v5, $0x1F  }
0x38: {  	_ = 	snop  }
0x39: {  	v1 =	vadd.s32 v1, v2;
	_ =	sdelay $0x2  }
0x3a: {  	v2 =	vadd.s32 $0xFFFFEC00, v4  }
0x3b: {  	[tilespmem:v3+s17+$0x0] =	vst.idx.msk $0xffff, v5;
	v2 =	vshrl.u32 v2, $0x1F  }
0x3c: {  	[tilespmem:v1+s17+$0x0] =	vst.idx.msk $0xffff, v2  }
0x3d: {  	[hbm4b:s18+s17] =	stream.linear.scatter [tilespmem:s17], [sflag:$0x1], $0x10000, $0x38;
	[tilespmem:$0x10C00] =	vst v63  }
0x3e: {  	_ =	swait.ge [sflag:s31], $0x10000  }
0x3f: {  	[sflag:s31] =	ssyncset.done $0x0  }
0x40: {  	s0 =	simm.s32 $0x10800;
	[sflag:s31] =	ssyncadd.s32 $0xFFFF0000  }
0x41: {  	s1 =	simm.s32 $0x10000;
	v2 =	vld [tilespmem:s0+$0x0]  }
0x42: {  	v3 =	vld [tilespmem:s1+$0x0];
	_ =	sdelay $0x2  }
0x43: {  	s0 =	simm.s32 $0x10810  }
0x44: {  	s1 =	simm.s32 $0x10010;
	v1 =	vld [tilespmem:s0+$0x0]  }
0x45: {  	s2 =	simm.s32 $0x10;
	v2 =	vadd.s32 v2, v3;
	v3 =	vld [tilespmem:s1+$0x0]  }
.LBB2_4:
0x46: {  	s2 =	sadd.s32 $0x10, s2  }
0x47: {  	p0 =	slt.u32 s2, $0x3F0  }
.Ltmp1:
0x48: {  	_ = 	snop;
	(pc) =	sbr.rel @p0 .LBB2_4-.Ltmp1, $4  }
0x49: {  	_ = 	snop  }
0x4a: {  	s0 =	sadd.s32 $0x10, s0;
	[tilespmem:v2+s17+$0x0] =	vst.idx.msk $0xffff, v0  }
0x4b: {  	s1 =	sadd.s32 $0x10, s1;
	v2 =	vadd.s32 v1, v3;
	v1 =	vld [tilespmem:s0+$0x0]  }
0x4c: {  	v3 =	vld [tilespmem:s1+$0x0]  }
0x4d: {  	_ =	sdelay $0x3  }
0x4e: {  	v1 =	vadd.s32 v1, v3;
	_ =	sdelay $0x3  }
0x4f: {  	[tilespmem:v2+s17+$0x0] =	vst.idx.msk $0xffff, v0  }
0x50: {  	s0 =	simm.s32 $0x10000;
	[tilespmem:v1+s17+$0x0] =	vst.idx.msk $0xffff, v0  }
0x51: {  	[tilespmem:s0], [sflag:$0x1] =	stream.linear.gather [hbm4b:s3+s17], $0x400, $0x38;
	[tilespmem:$0x10C00] =	vst v63  }
0x52: {  	_ =	swait.ge [sflag:s31], $0x400  }
0x53: {  	[sflag:s31] =	ssyncset.done $0x0  }
0x54: {  	s1 =	simm.s32 $0x10400;
	[sflag:s31] =	ssyncadd.s32 $0xFFFFFC00  }
0x55: {  	[tilespmem:s1], [sflag:$0x1] =	stream.linear.gather [hbm4b:s4+s17], $0x400, $0x38;
	[tilespmem:$0x10C00] =	vst v63  }
0x56: {  	_ =	swait.ge [sflag:s31], $0x400  }
0x57: {  	[sflag:s31] =	ssyncset.done $0x0  }
0x58: {  	s2 =	simm.s32 $0x10800;
	[sflag:s31] =	ssyncadd.s32 $0xFFFFFC00  }
0x59: {  	v3 =	vld [tilespmem:s2+$0x0]  }
0x5a: {  	v5 =	vld [tilespmem:s0+$0x0];
	_ =	sdelay $0x1  }
0x5b: {  	v4 =	vld [tilespmem:s1+$0x0];
	_ =	sdelay $0x1  }
0x5c: {  	s24 =	simm.s32 $0x10010  }
0x5d: {  	s0 =	simm.s32 $0x10810;
	v2 =	vld [tilespmem:s24+$0x0];
	v3 =	vadd.s32 v3, v5  }
0x5e: {  	v1 =	vld [tilespmem:s0+$0x0]  }
0x5f: {  	s1 =	simm.s32 $0x10410;
	v6 =	vadd.s32 $0xFFFFEC00, v4  }
0x60: {  	s2 =	simm.s32 $0x10;
	v4 =	vld [tilespmem:s1+$0x0];
	v5 =	vshrl.u32 v6, $0x1F  }
.LBB2_6:
0x61: {  	s2 =	sadd.s32 $0x10, s2  }
0x62: {  	s0 =	sadd.s32 $0x10, s0;
	[tilespmem:v3+s17+$0x0] =	vst.idx.msk $0xffff, v5;
	p0 =	slt.u32 s2, $0x3F0  }
.Ltmp2:
0x63: {  	s24 =	sadd.s32 $0x10, s24;
	v3 =	vadd.s32 v1, v2;
	v1 =	vld [tilespmem:s0+$0x0];
	(pc) =	sbr.rel @p0 .LBB2_6-.Ltmp2, $3  }
0x64: {  	v2 =	vld [tilespmem:s24+$0x0];
	_ =	sdelay $0x1  }
0x65: {  	s1 =	sadd.s32 $0x10, s1;
	v5 =	vadd.s32 $0xFFFFEC00, v4  }
0x66: {  	v4 =	vld [tilespmem:s1+$0x0];
	v5 =	vshrl.u32 v5, $0x1F  }
0x67: {  	_ = 	snop  }
0x68: {  	v1 =	vadd.s32 v1, v2;
	_ =	sdelay $0x2  }
0x69: {  	v2 =	vadd.s32 $0xFFFFEC00, v4  }
0x6a: {  	[tilespmem:v3+s17+$0x0] =	vst.idx.msk $0xffff, v5;
	v2 =	vshrl.u32 v2, $0x1F  }
0x6b: {  	[tilespmem:v1+s17+$0x0] =	vst.idx.msk $0xffff, v2  }
0x6c: {  	[hbm4b:s19+s17] =	stream.linear.scatter [tilespmem:s17], [sflag:$0x1], $0x10000, $0x38;
	[tilespmem:$0x10C00] =	vst v63  }
0x6d: {  	_ =	swait.ge [sflag:s31], $0x10000  }
0x6e: {  	[sflag:s31] =	ssyncset.done $0x0  }
0x6f: {  	s0 =	simm.s32 $0x10800;
	[sflag:s31] =	ssyncadd.s32 $0xFFFF0000  }
0x70: {  	s1 =	simm.s32 $0x10000;
	v2 =	vld [tilespmem:s0+$0x0]  }
0x71: {  	v3 =	vld [tilespmem:s1+$0x0];
	_ =	sdelay $0x2  }
0x72: {  	s0 =	simm.s32 $0x10810  }
0x73: {  	s1 =	simm.s32 $0x10010;
	v1 =	vld [tilespmem:s0+$0x0]  }
0x74: {  	s2 =	simm.s32 $0x10;
	v2 =	vadd.s32 v2, v3;
	v3 =	vld [tilespmem:s1+$0x0]  }
.LBB2_8:
0x75: {  	s2 =	sadd.s32 $0x10, s2  }
0x76: {  	p0 =	slt.u32 s2, $0x3F0  }
.Ltmp3:
0x77: {  	_ = 	snop;
	(pc) =	sbr.rel @p0 .LBB2_8-.Ltmp3, $4  }
0x78: {  	_ = 	snop  }
0x79: {  	s0 =	sadd.s32 $0x10, s0;
	[tilespmem:v2+s17+$0x0] =	vst.idx.msk $0xffff, v0  }
0x7a: {  	s1 =	sadd.s32 $0x10, s1;
	v2 =	vadd.s32 v1, v3;
	v1 =	vld [tilespmem:s0+$0x0]  }
0x7b: {  	v3 =	vld [tilespmem:s1+$0x0]  }
0x7c: {  	_ =	sdelay $0x3  }
0x7d: {  	v1 =	vadd.s32 v1, v3;
	_ =	sdelay $0x3  }
0x7e: {  	[tilespmem:v2+s17+$0x0] =	vst.idx.msk $0xffff, v0  }
0x7f: {  	s0 =	simm.s32 $0x10000;
	[tilespmem:v1+s17+$0x0] =	vst.idx.msk $0xffff, v0  }
0x80: {  	[tilespmem:s0], [sflag:$0x1] =	stream.linear.gather [hbm4b:s5+s17], $0x400, $0x38;
	[tilespmem:$0x10C00] =	vst v63  }
0x81: {  	_ =	swait.ge [sflag:s31], $0x400  }
0x82: {  	[sflag:s31] =	ssyncset.done $0x0  }
0x83: {  	s1 =	simm.s32 $0x10400;
	[sflag:s31] =	ssyncadd.s32 $0xFFFFFC00  }
0x84: {  	[tilespmem:s1], [sflag:$0x1] =	stream.linear.gather [hbm4b:s6+s17], $0x400, $0x38;
	[tilespmem:$0x10C00] =	vst v63  }
0x85: {  	_ =	swait.ge [sflag:s31], $0x400  }
0x86: {  	[sflag:s31] =	ssyncset.done $0x0  }
0x87: {  	s2 =	simm.s32 $0x10800;
	[sflag:s31] =	ssyncadd.s32 $0xFFFFFC00  }
0x88: {  	v3 =	vld [tilespmem:s2+$0x0]  }
0x89: {  	v5 =	vld [tilespmem:s0+$0x0];
	_ =	sdelay $0x1  }
0x8a: {  	v4 =	vld [tilespmem:s1+$0x0];
	_ =	sdelay $0x1  }
0x8b: {  	s24 =	simm.s32 $0x10010  }
0x8c: {  	s0 =	simm.s32 $0x10810;
	v2 =	vld [tilespmem:s24+$0x0];
	v3 =	vadd.s32 v3, v5  }
0x8d: {  	v1 =	vld [tilespmem:s0+$0x0]  }
0x8e: {  	s1 =	simm.s32 $0x10410;
	v6 =	vadd.s32 $0xFFFFEC00, v4  }
0x8f: {  	s2 =	simm.s32 $0x10;
	v4 =	vld [tilespmem:s1+$0x0];
	v5 =	vshrl.u32 v6, $0x1F  }
.LBB2_10:
0x90: {  	s2 =	sadd.s32 $0x10, s2  }
0x91: {  	s0 =	sadd.s32 $0x10, s0;
	[tilespmem:v3+s17+$0x0] =	vst.idx.msk $0xffff, v5;
	p0 =	slt.u32 s2, $0x3F0  }
.Ltmp4:
0x92: {  	s24 =	sadd.s32 $0x10, s24;
	v3 =	vadd.s32 v1, v2;
	v1 =	vld [tilespmem:s0+$0x0];
	(pc) =	sbr.rel @p0 .LBB2_10-.Ltmp4, $3  }
0x93: {  	v2 =	vld [tilespmem:s24+$0x0];
	_ =	sdelay $0x1  }
0x94: {  	s1 =	sadd.s32 $0x10, s1;
	v5 =	vadd.s32 $0xFFFFEC00, v4  }
0x95: {  	v4 =	vld [tilespmem:s1+$0x0];
	v5 =	vshrl.u32 v5, $0x1F  }
0x96: {  	_ = 	snop  }
0x97: {  	v1 =	vadd.s32 v1, v2;
	_ =	sdelay $0x2  }
0x98: {  	v2 =	vadd.s32 $0xFFFFEC00, v4  }
0x99: {  	[tilespmem:v3+s17+$0x0] =	vst.idx.msk $0xffff, v5;
	v2 =	vshrl.u32 v2, $0x1F  }
0x9a: {  	[tilespmem:v1+s17+$0x0] =	vst.idx.msk $0xffff, v2  }
0x9b: {  	[hbm4b:s20+s17] =	stream.linear.scatter [tilespmem:s17], [sflag:$0x1], $0x10000, $0x38;
	[tilespmem:$0x10C00] =	vst v63  }
0x9c: {  	_ =	swait.ge [sflag:s31], $0x10000  }
0x9d: {  	[sflag:s31] =	ssyncset.done $0x0  }
0x9e: {  	s0 =	simm.s32 $0x10800;
	[sflag:s31] =	ssyncadd.s32 $0xFFFF0000  }
0x9f: {  	s1 =	simm.s32 $0x10000;
	v2 =	vld [tilespmem:s0+$0x0]  }
0xa0: {  	v3 =	vld [tilespmem:s1+$0x0];
	_ =	sdelay $0x2  }
0xa1: {  	s0 =	simm.s32 $0x10810  }
0xa2: {  	s1 =	simm.s32 $0x10010;
	v1 =	vld [tilespmem:s0+$0x0]  }
0xa3: {  	s2 =	simm.s32 $0x10;
	v2 =	vadd.s32 v2, v3;
	v3 =	vld [tilespmem:s1+$0x0]  }
.LBB2_12:
0xa4: {  	s2 =	sadd.s32 $0x10, s2  }
0xa5: {  	p0 =	slt.u32 s2, $0x3F0  }
.Ltmp5:
0xa6: {  	_ = 	snop;
	(pc) =	sbr.rel @p0 .LBB2_12-.Ltmp5, $4  }
0xa7: {  	_ = 	snop  }
0xa8: {  	s0 =	sadd.s32 $0x10, s0;
	[tilespmem:v2+s17+$0x0] =	vst.idx.msk $0xffff, v0  }
0xa9: {  	s1 =	sadd.s32 $0x10, s1;
	v2 =	vadd.s32 v1, v3;
	v1 =	vld [tilespmem:s0+$0x0]  }
0xaa: {  	v3 =	vld [tilespmem:s1+$0x0]  }
0xab: {  	_ =	sdelay $0x3  }
0xac: {  	v1 =	vadd.s32 v1, v3;
	_ =	sdelay $0x3  }
0xad: {  	[tilespmem:v2+s17+$0x0] =	vst.idx.msk $0xffff, v0  }
0xae: {  	s0 =	simm.s32 $0x10000;
	[tilespmem:v1+s17+$0x0] =	vst.idx.msk $0xffff, v0  }
0xaf: {  	[tilespmem:s0], [sflag:$0x1] =	stream.linear.gather [hbm4b:s7+s17], $0x400, $0x38;
	[tilespmem:$0x10C00] =	vst v63  }
0xb0: {  	_ =	swait.ge [sflag:s31], $0x400  }
0xb1: {  	[sflag:s31] =	ssyncset.done $0x0  }
0xb2: {  	s1 =	simm.s32 $0x10400;
	[sflag:s31] =	ssyncadd.s32 $0xFFFFFC00  }
0xb3: {  	[tilespmem:s1], [sflag:$0x1] =	stream.linear.gather [hbm4b:s8+s17], $0x400, $0x38;
	[tilespmem:$0x10C00] =	vst v63  }
0xb4: {  	_ =	swait.ge [sflag:s31], $0x400  }
0xb5: {  	[sflag:s31] =	ssyncset.done $0x0  }
0xb6: {  	s2 =	simm.s32 $0x10800;
	[sflag:s31] =	ssyncadd.s32 $0xFFFFFC00  }
0xb7: {  	v3 =	vld [tilespmem:s2+$0x0]  }
0xb8: {  	v5 =	vld [tilespmem:s0+$0x0];
	_ =	sdelay $0x1  }
0xb9: {  	v4 =	vld [tilespmem:s1+$0x0];
	_ =	sdelay $0x1  }
0xba: {  	s24 =	simm.s32 $0x10010  }
0xbb: {  	s0 =	simm.s32 $0x10810;
	v2 =	vld [tilespmem:s24+$0x0];
	v3 =	vadd.s32 v3, v5  }
0xbc: {  	v1 =	vld [tilespmem:s0+$0x0]  }
0xbd: {  	s1 =	simm.s32 $0x10410;
	v6 =	vadd.s32 $0xFFFFEC00, v4  }
0xbe: {  	s2 =	simm.s32 $0x10;
	v4 =	vld [tilespmem:s1+$0x0];
	v5 =	vshrl.u32 v6, $0x1F  }
.LBB2_14:
0xbf: {  	s2 =	sadd.s32 $0x10, s2  }
0xc0: {  	s0 =	sadd.s32 $0x10, s0;
	[tilespmem:v3+s17+$0x0] =	vst.idx.msk $0xffff, v5;
	p0 =	slt.u32 s2, $0x3F0  }
.Ltmp6:
0xc1: {  	s24 =	sadd.s32 $0x10, s24;
	v3 =	vadd.s32 v1, v2;
	v1 =	vld [tilespmem:s0+$0x0];
	(pc) =	sbr.rel @p0 .LBB2_14-.Ltmp6, $3  }
0xc2: {  	v2 =	vld [tilespmem:s24+$0x0];
	_ =	sdelay $0x1  }
0xc3: {  	s1 =	sadd.s32 $0x10, s1;
	v5 =	vadd.s32 $0xFFFFEC00, v4  }
0xc4: {  	v4 =	vld [tilespmem:s1+$0x0];
	v5 =	vshrl.u32 v5, $0x1F  }
0xc5: {  	_ = 	snop  }
0xc6: {  	v1 =	vadd.s32 v1, v2;
	_ =	sdelay $0x2  }
0xc7: {  	v2 =	vadd.s32 $0xFFFFEC00, v4  }
0xc8: {  	[tilespmem:v3+s17+$0x0] =	vst.idx.msk $0xffff, v5;
	v2 =	vshrl.u32 v2, $0x1F  }
0xc9: {  	[tilespmem:v1+s17+$0x0] =	vst.idx.msk $0xffff, v2  }
0xca: {  	[hbm4b:s21+s17] =	stream.linear.scatter [tilespmem:s17], [sflag:$0x1], $0x10000, $0x38;
	[tilespmem:$0x10C00] =	vst v63  }
0xcb: {  	_ =	swait.ge [sflag:s31], $0x10000  }
0xcc: {  	[sflag:s31] =	ssyncset.done $0x0  }
0xcd: {  	s0 =	simm.s32 $0x10800;
	[sflag:s31] =	ssyncadd.s32 $0xFFFF0000  }
0xce: {  	s1 =	simm.s32 $0x10000;
	v2 =	vld [tilespmem:s0+$0x0]  }
0xcf: {  	v3 =	vld [tilespmem:s1+$0x0];
	_ =	sdelay $0x2  }
0xd0: {  	s0 =	simm.s32 $0x10810  }
0xd1: {  	s1 =	simm.s32 $0x10010;
	v1 =	vld [tilespmem:s0+$0x0]  }
0xd2: {  	s2 =	simm.s32 $0x10;
	v2 =	vadd.s32 v2, v3;
	v3 =	vld [tilespmem:s1+$0x0]  }
.LBB2_16:
0xd3: {  	s2 =	sadd.s32 $0x10, s2  }
0xd4: {  	p0 =	slt.u32 s2, $0x3F0  }
.Ltmp7:
0xd5: {  	_ = 	snop;
	(pc) =	sbr.rel @p0 .LBB2_16-.Ltmp7, $4  }
0xd6: {  	_ = 	snop  }
0xd7: {  	s0 =	sadd.s32 $0x10, s0;
	[tilespmem:v2+s17+$0x0] =	vst.idx.msk $0xffff, v0  }
0xd8: {  	s1 =	sadd.s32 $0x10, s1;
	v2 =	vadd.s32 v1, v3;
	v1 =	vld [tilespmem:s0+$0x0]  }
0xd9: {  	v3 =	vld [tilespmem:s1+$0x0]  }
0xda: {  	_ =	sdelay $0x3  }
0xdb: {  	v1 =	vadd.s32 v1, v3;
	_ =	sdelay $0x3  }
0xdc: {  	[tilespmem:v2+s17+$0x0] =	vst.idx.msk $0xffff, v0  }
0xdd: {  	s0 =	simm.s32 $0x10000;
	[tilespmem:v1+s17+$0x0] =	vst.idx.msk $0xffff, v0  }
0xde: {  	[tilespmem:s0], [sflag:$0x1] =	stream.linear.gather [hbm4b:s9+s17], $0x400, $0x38;
	[tilespmem:$0x10C00] =	vst v63  }
0xdf: {  	_ =	swait.ge [sflag:s31], $0x400  }
0xe0: {  	[sflag:s31] =	ssyncset.done $0x0  }
0xe1: {  	s1 =	simm.s32 $0x10400;
	[sflag:s31] =	ssyncadd.s32 $0xFFFFFC00  }
0xe2: {  	[tilespmem:s1], [sflag:$0x1] =	stream.linear.gather [hbm4b:s10+s17], $0x400, $0x38;
	[tilespmem:$0x10C00] =	vst v63  }
0xe3: {  	_ =	swait.ge [sflag:s31], $0x400  }
0xe4: {  	[sflag:s31] =	ssyncset.done $0x0  }
0xe5: {  	s2 =	simm.s32 $0x10800;
	[sflag:s31] =	ssyncadd.s32 $0xFFFFFC00  }
0xe6: {  	v3 =	vld [tilespmem:s2+$0x0]  }
0xe7: {  	v5 =	vld [tilespmem:s0+$0x0];
	_ =	sdelay $0x1  }
0xe8: {  	v4 =	vld [tilespmem:s1+$0x0];
	_ =	sdelay $0x1  }
0xe9: {  	s24 =	simm.s32 $0x10010  }
0xea: {  	s0 =	simm.s32 $0x10810;
	v2 =	vld [tilespmem:s24+$0x0];
	v3 =	vadd.s32 v3, v5  }
0xeb: {  	v1 =	vld [tilespmem:s0+$0x0]  }
0xec: {  	s1 =	simm.s32 $0x10410;
	v6 =	vadd.s32 $0xFFFFEC00, v4  }
0xed: {  	s2 =	simm.s32 $0x10;
	v4 =	vld [tilespmem:s1+$0x0];
	v5 =	vshrl.u32 v6, $0x1F  }
.LBB2_18:
0xee: {  	s2 =	sadd.s32 $0x10, s2  }
0xef: {  	s0 =	sadd.s32 $0x10, s0;
	[tilespmem:v3+s17+$0x0] =	vst.idx.msk $0xffff, v5;
	p0 =	slt.u32 s2, $0x3F0  }
.Ltmp8:
0xf0: {  	s24 =	sadd.s32 $0x10, s24;
	v3 =	vadd.s32 v1, v2;
	v1 =	vld [tilespmem:s0+$0x0];
	(pc) =	sbr.rel @p0 .LBB2_18-.Ltmp8, $3  }
0xf1: {  	v2 =	vld [tilespmem:s24+$0x0];
	_ =	sdelay $0x1  }
0xf2: {  	s1 =	sadd.s32 $0x10, s1;
	v5 =	vadd.s32 $0xFFFFEC00, v4  }
0xf3: {  	v4 =	vld [tilespmem:s1+$0x0];
	v5 =	vshrl.u32 v5, $0x1F  }
0xf4: {  	_ = 	snop  }
0xf5: {  	v1 =	vadd.s32 v1, v2;
	_ =	sdelay $0x2  }
0xf6: {  	v2 =	vadd.s32 $0xFFFFEC00, v4  }
0xf7: {  	[tilespmem:v3+s17+$0x0] =	vst.idx.msk $0xffff, v5;
	v2 =	vshrl.u32 v2, $0x1F  }
0xf8: {  	[tilespmem:v1+s17+$0x0] =	vst.idx.msk $0xffff, v2  }
0xf9: {  	[hbm4b:s22+s17] =	stream.linear.scatter [tilespmem:s17], [sflag:$0x1], $0x10000, $0x38;
	[tilespmem:$0x10C00] =	vst v63  }
0xfa: {  	_ =	swait.ge [sflag:s31], $0x10000  }
0xfb: {  	[sflag:s31] =	ssyncset.done $0x0  }
0xfc: {  	s0 =	simm.s32 $0x10800;
	[sflag:s31] =	ssyncadd.s32 $0xFFFF0000  }
0xfd: {  	s1 =	simm.s32 $0x10000;
	v2 =	vld [tilespmem:s0+$0x0]  }
0xfe: {  	v3 =	vld [tilespmem:s1+$0x0];
	_ =	sdelay $0x2  }
0xff: {  	s0 =	simm.s32 $0x10810  }
0x100: {  	s1 =	simm.s32 $0x10010;
	v1 =	vld [tilespmem:s0+$0x0]  }
0x101: {  	s2 =	simm.s32 $0x10;
	v2 =	vadd.s32 v2, v3;
	v3 =	vld [tilespmem:s1+$0x0]  }
.LBB2_20:
0x102: {  	s2 =	sadd.s32 $0x10, s2  }
0x103: {  	p0 =	slt.u32 s2, $0x3F0  }
.Ltmp9:
0x104: {  	_ = 	snop;
	(pc) =	sbr.rel @p0 .LBB2_20-.Ltmp9, $4  }
0x105: {  	_ = 	snop  }
0x106: {  	s0 =	sadd.s32 $0x10, s0;
	[tilespmem:v2+s17+$0x0] =	vst.idx.msk $0xffff, v0  }
0x107: {  	s1 =	sadd.s32 $0x10, s1;
	v2 =	vadd.s32 v1, v3;
	v1 =	vld [tilespmem:s0+$0x0]  }
0x108: {  	v3 =	vld [tilespmem:s1+$0x0]  }
0x109: {  	_ =	sdelay $0x3  }
0x10a: {  	v1 =	vadd.s32 v1, v3;
	_ =	sdelay $0x3  }
0x10b: {  	[tilespmem:v2+s17+$0x0] =	vst.idx.msk $0xffff, v0  }
0x10c: {  	s0 =	simm.s32 $0x10000;
	[tilespmem:v1+s17+$0x0] =	vst.idx.msk $0xffff, v0  }
0x10d: {  	[tilespmem:s0], [sflag:$0x1] =	stream.linear.gather [hbm4b:s11+s17], $0x400, $0x38;
	[tilespmem:$0x10C00] =	vst v63  }
0x10e: {  	_ =	swait.ge [sflag:s31], $0x400  }
0x10f: {  	[sflag:s31] =	ssyncset.done $0x0  }
0x110: {  	s1 =	simm.s32 $0x10400;
	[sflag:s31] =	ssyncadd.s32 $0xFFFFFC00  }
0x111: {  	[tilespmem:s1], [sflag:$0x1] =	stream.linear.gather [hbm4b:s12+s17], $0x400, $0x38;
	[tilespmem:$0x10C00] =	vst v63  }
0x112: {  	_ =	swait.ge [sflag:s31], $0x400  }
0x113: {  	[sflag:s31] =	ssyncset.done $0x0  }
0x114: {  	s2 =	simm.s32 $0x10800;
	[sflag:s31] =	ssyncadd.s32 $0xFFFFFC00  }
0x115: {  	v3 =	vld [tilespmem:s2+$0x0]  }
0x116: {  	v5 =	vld [tilespmem:s0+$0x0];
	_ =	sdelay $0x1  }
0x117: {  	v4 =	vld [tilespmem:s1+$0x0];
	_ =	sdelay $0x1  }
0x118: {  	s24 =	simm.s32 $0x10010  }
0x119: {  	s0 =	simm.s32 $0x10810;
	v2 =	vld [tilespmem:s24+$0x0];
	v3 =	vadd.s32 v3, v5  }
0x11a: {  	v1 =	vld [tilespmem:s0+$0x0]  }
0x11b: {  	s1 =	simm.s32 $0x10410;
	v6 =	vadd.s32 $0xFFFFEC00, v4  }
0x11c: {  	s2 =	simm.s32 $0x10;
	v4 =	vld [tilespmem:s1+$0x0];
	v5 =	vshrl.u32 v6, $0x1F  }
.LBB2_22:
0x11d: {  	s2 =	sadd.s32 $0x10, s2  }
0x11e: {  	s0 =	sadd.s32 $0x10, s0;
	[tilespmem:v3+s17+$0x0] =	vst.idx.msk $0xffff, v5;
	p0 =	slt.u32 s2, $0x3F0  }
.Ltmp10:
0x11f: {  	s24 =	sadd.s32 $0x10, s24;
	v3 =	vadd.s32 v1, v2;
	v1 =	vld [tilespmem:s0+$0x0];
	(pc) =	sbr.rel @p0 .LBB2_22-.Ltmp10, $3  }
0x120: {  	v2 =	vld [tilespmem:s24+$0x0];
	_ =	sdelay $0x1  }
0x121: {  	s1 =	sadd.s32 $0x10, s1;
	v5 =	vadd.s32 $0xFFFFEC00, v4  }
0x122: {  	v4 =	vld [tilespmem:s1+$0x0];
	v5 =	vshrl.u32 v5, $0x1F  }
0x123: {  	_ = 	snop  }
0x124: {  	v1 =	vadd.s32 v1, v2;
	_ =	sdelay $0x2  }
0x125: {  	v2 =	vadd.s32 $0xFFFFEC00, v4  }
0x126: {  	[tilespmem:v3+s17+$0x0] =	vst.idx.msk $0xffff, v5;
	v2 =	vshrl.u32 v2, $0x1F  }
0x127: {  	[tilespmem:v1+s17+$0x0] =	vst.idx.msk $0xffff, v2  }
0x128: {  	[hbm4b:s25+s17] =	stream.linear.scatter [tilespmem:s17], [sflag:$0x1], $0x10000, $0x38;
	[tilespmem:$0x10C00] =	vst v63  }
0x129: {  	_ =	swait.ge [sflag:s31], $0x10000  }
0x12a: {  	[sflag:s31] =	ssyncset.done $0x0  }
0x12b: {  	s0 =	simm.s32 $0x10800;
	[sflag:s31] =	ssyncadd.s32 $0xFFFF0000  }
0x12c: {  	s1 =	simm.s32 $0x10000;
	v2 =	vld [tilespmem:s0+$0x0]  }
0x12d: {  	v3 =	vld [tilespmem:s1+$0x0];
	_ =	sdelay $0x2  }
0x12e: {  	s0 =	simm.s32 $0x10810  }
0x12f: {  	s1 =	simm.s32 $0x10010;
	v1 =	vld [tilespmem:s0+$0x0]  }
0x130: {  	s2 =	simm.s32 $0x10;
	v2 =	vadd.s32 v2, v3;
	v3 =	vld [tilespmem:s1+$0x0]  }
.LBB2_24:
0x131: {  	s2 =	sadd.s32 $0x10, s2  }
0x132: {  	p0 =	slt.u32 s2, $0x3F0  }
.Ltmp11:
0x133: {  	_ = 	snop;
	(pc) =	sbr.rel @p0 .LBB2_24-.Ltmp11, $4  }
0x134: {  	_ = 	snop  }
0x135: {  	s0 =	sadd.s32 $0x10, s0;
	[tilespmem:v2+s17+$0x0] =	vst.idx.msk $0xffff, v0  }
0x136: {  	s1 =	sadd.s32 $0x10, s1;
	v2 =	vadd.s32 v1, v3;
	v1 =	vld [tilespmem:s0+$0x0]  }
0x137: {  	v3 =	vld [tilespmem:s1+$0x0]  }
0x138: {  	_ =	sdelay $0x3  }
0x139: {  	v1 =	vadd.s32 v1, v3;
	_ =	sdelay $0x3  }
0x13a: {  	[tilespmem:v2+s17+$0x0] =	vst.idx.msk $0xffff, v0  }
0x13b: {  	s0 =	simm.s32 $0x10000;
	[tilespmem:v1+s17+$0x0] =	vst.idx.msk $0xffff, v0  }
0x13c: {  	[tilespmem:s0], [sflag:$0x1] =	stream.linear.gather [hbm4b:s13+s17], $0x400, $0x38;
	[tilespmem:$0x10C00] =	vst v63  }
0x13d: {  	_ =	swait.ge [sflag:s31], $0x400  }
0x13e: {  	[sflag:s31] =	ssyncset.done $0x0  }
0x13f: {  	s1 =	simm.s32 $0x10400;
	[sflag:s31] =	ssyncadd.s32 $0xFFFFFC00  }
0x140: {  	[tilespmem:s1], [sflag:$0x1] =	stream.linear.gather [hbm4b:s14+s17], $0x400, $0x38;
	[tilespmem:$0x10C00] =	vst v63  }
0x141: {  	_ =	swait.ge [sflag:s31], $0x400  }
0x142: {  	[sflag:s31] =	ssyncset.done $0x0  }
0x143: {  	s2 =	simm.s32 $0x10800;
	[sflag:s31] =	ssyncadd.s32 $0xFFFFFC00  }
0x144: {  	v3 =	vld [tilespmem:s2+$0x0]  }
0x145: {  	v5 =	vld [tilespmem:s0+$0x0];
	_ =	sdelay $0x1  }
0x146: {  	v4 =	vld [tilespmem:s1+$0x0];
	_ =	sdelay $0x1  }
0x147: {  	s24 =	simm.s32 $0x10010  }
0x148: {  	s0 =	simm.s32 $0x10810;
	v2 =	vld [tilespmem:s24+$0x0];
	v3 =	vadd.s32 v3, v5  }
0x149: {  	v1 =	vld [tilespmem:s0+$0x0]  }
0x14a: {  	s1 =	simm.s32 $0x10410;
	v6 =	vadd.s32 $0xFFFFEC00, v4  }
0x14b: {  	s2 =	simm.s32 $0x10;
	v4 =	vld [tilespmem:s1+$0x0];
	v5 =	vshrl.u32 v6, $0x1F  }
.LBB2_26:
0x14c: {  	s2 =	sadd.s32 $0x10, s2  }
0x14d: {  	s0 =	sadd.s32 $0x10, s0;
	[tilespmem:v3+s17+$0x0] =	vst.idx.msk $0xffff, v5;
	p0 =	slt.u32 s2, $0x3F0  }
.Ltmp12:
0x14e: {  	s24 =	sadd.s32 $0x10, s24;
	v3 =	vadd.s32 v1, v2;
	v1 =	vld [tilespmem:s0+$0x0];
	(pc) =	sbr.rel @p0 .LBB2_26-.Ltmp12, $3  }
0x14f: {  	v2 =	vld [tilespmem:s24+$0x0];
	_ =	sdelay $0x1  }
0x150: {  	s1 =	sadd.s32 $0x10, s1;
	v5 =	vadd.s32 $0xFFFFEC00, v4  }
0x151: {  	v4 =	vld [tilespmem:s1+$0x0];
	v5 =	vshrl.u32 v5, $0x1F  }
0x152: {  	_ = 	snop  }
0x153: {  	v1 =	vadd.s32 v1, v2;
	_ =	sdelay $0x2  }
0x154: {  	v2 =	vadd.s32 $0xFFFFEC00, v4  }
0x155: {  	[tilespmem:v3+s17+$0x0] =	vst.idx.msk $0xffff, v5;
	v2 =	vshrl.u32 v2, $0x1F  }
0x156: {  	[tilespmem:v1+s17+$0x0] =	vst.idx.msk $0xffff, v2  }
0x157: {  	[hbm4b:s26+s17] =	stream.linear.scatter [tilespmem:s17], [sflag:$0x1], $0x10000, $0x38;
	[tilespmem:$0x10C00] =	vst v63  }
0x158: {  	_ =	swait.ge [sflag:s31], $0x10000  }
0x159: {  	[sflag:s31] =	ssyncset.done $0x0  }
0x15a: {  	s0 =	simm.s32 $0x10800;
	[sflag:s31] =	ssyncadd.s32 $0xFFFF0000  }
0x15b: {  	s1 =	simm.s32 $0x10000;
	v2 =	vld [tilespmem:s0+$0x0]  }
0x15c: {  	v3 =	vld [tilespmem:s1+$0x0];
	_ =	sdelay $0x2  }
0x15d: {  	s0 =	simm.s32 $0x10810  }
0x15e: {  	s1 =	simm.s32 $0x10010;
	v1 =	vld [tilespmem:s0+$0x0]  }
0x15f: {  	s2 =	simm.s32 $0x10;
	v2 =	vadd.s32 v2, v3;
	v3 =	vld [tilespmem:s1+$0x0]  }
.LBB2_28:
0x160: {  	s2 =	sadd.s32 $0x10, s2  }
0x161: {  	p0 =	slt.u32 s2, $0x3F0  }
.Ltmp13:
0x162: {  	_ = 	snop;
	(pc) =	sbr.rel @p0 .LBB2_28-.Ltmp13, $4  }
0x163: {  	_ = 	snop  }
0x164: {  	s0 =	sadd.s32 $0x10, s0;
	[tilespmem:v2+s17+$0x0] =	vst.idx.msk $0xffff, v0  }
0x165: {  	s1 =	sadd.s32 $0x10, s1;
	v2 =	vadd.s32 v1, v3;
	v1 =	vld [tilespmem:s0+$0x0]  }
0x166: {  	v3 =	vld [tilespmem:s1+$0x0]  }
0x167: {  	_ =	sdelay $0x3  }
0x168: {  	v1 =	vadd.s32 v1, v3;
	_ =	sdelay $0x3  }
0x169: {  	[tilespmem:v2+s17+$0x0] =	vst.idx.msk $0xffff, v0  }
0x16a: {  	s0 =	simm.s32 $0x10000;
	[tilespmem:v1+s17+$0x0] =	vst.idx.msk $0xffff, v0  }
0x16b: {  	[tilespmem:s0], [sflag:$0x1] =	stream.linear.gather [hbm4b:s15+s17], $0x400, $0x38;
	[tilespmem:$0x10C00] =	vst v63  }
0x16c: {  	_ =	swait.ge [sflag:s31], $0x400  }
0x16d: {  	[sflag:s31] =	ssyncset.done $0x0  }
0x16e: {  	s1 =	simm.s32 $0x10400;
	[sflag:s31] =	ssyncadd.s32 $0xFFFFFC00  }
0x16f: {  	[tilespmem:s1], [sflag:$0x1] =	stream.linear.gather [hbm4b:s16+s17], $0x400, $0x38;
	[tilespmem:$0x10C00] =	vst v63  }
0x170: {  	_ =	swait.ge [sflag:s31], $0x400  }
0x171: {  	[sflag:s31] =	ssyncset.done $0x0  }
0x172: {  	s2 =	simm.s32 $0x10800;
	[sflag:s31] =	ssyncadd.s32 $0xFFFFFC00  }
0x173: {  	v3 =	vld [tilespmem:s2+$0x0]  }
0x174: {  	v5 =	vld [tilespmem:s0+$0x0];
	_ =	sdelay $0x1  }
0x175: {  	v4 =	vld [tilespmem:s1+$0x0];
	_ =	sdelay $0x1  }
0x176: {  	s24 =	simm.s32 $0x10010  }
0x177: {  	s0 =	simm.s32 $0x10810;
	v2 =	vld [tilespmem:s24+$0x0];
	v3 =	vadd.s32 v3, v5  }
0x178: {  	v1 =	vld [tilespmem:s0+$0x0]  }
0x179: {  	s1 =	simm.s32 $0x10410;
	v6 =	vadd.s32 $0xFFFFEC00, v4  }
0x17a: {  	s2 =	simm.s32 $0x10;
	v4 =	vld [tilespmem:s1+$0x0];
	v5 =	vshrl.u32 v6, $0x1F  }
.LBB2_30:
0x17b: {  	s2 =	sadd.s32 $0x10, s2  }
0x17c: {  	s0 =	sadd.s32 $0x10, s0;
	[tilespmem:v3+s17+$0x0] =	vst.idx.msk $0xffff, v5;
	p0 =	slt.u32 s2, $0x3F0  }
.Ltmp14:
0x17d: {  	s24 =	sadd.s32 $0x10, s24;
	v3 =	vadd.s32 v1, v2;
	v1 =	vld [tilespmem:s0+$0x0];
	(pc) =	sbr.rel @p0 .LBB2_30-.Ltmp14, $3  }
0x17e: {  	v2 =	vld [tilespmem:s24+$0x0];
	_ =	sdelay $0x1  }
0x17f: {  	s1 =	sadd.s32 $0x10, s1;
	v5 =	vadd.s32 $0xFFFFEC00, v4  }
0x180: {  	v4 =	vld [tilespmem:s1+$0x0];
	v5 =	vshrl.u32 v5, $0x1F  }
0x181: {  	_ = 	snop  }
0x182: {  	v1 =	vadd.s32 v1, v2;
	_ =	sdelay $0x2  }
0x183: {  	v2 =	vadd.s32 $0xFFFFEC00, v4  }
0x184: {  	[tilespmem:v3+s17+$0x0] =	vst.idx.msk $0xffff, v5;
	v2 =	vshrl.u32 v2, $0x1F  }
0x185: {  	[tilespmem:v1+s17+$0x0] =	vst.idx.msk $0xffff, v2  }
0x186: {  	[hbm4b:s28+s17] =	stream.linear.scatter [tilespmem:s17], [sflag:$0x1], $0x10000, $0x38;
	[tilespmem:$0x10C00] =	vst v63  }
0x187: {  	_ =	swait.ge [sflag:s31], $0x10000  }
0x188: {  	[sflag:s31] =	ssyncset.done $0x0  }
0x189: {  	s0 =	simm.s32 $0x10800;
	[sflag:s31] =	ssyncadd.s32 $0xFFFF0000  }
0x18a: {  	s1 =	simm.s32 $0x10000;
	v2 =	vld [tilespmem:s0+$0x0]  }
0x18b: {  	v3 =	vld [tilespmem:s1+$0x0];
	_ =	sdelay $0x2  }
0x18c: {  	s0 =	simm.s32 $0x10810  }
0x18d: {  	s1 =	simm.s32 $0x10010;
	v1 =	vld [tilespmem:s0+$0x0]  }
0x18e: {  	s2 =	simm.s32 $0x10;
	v2 =	vadd.s32 v2, v3;
	v3 =	vld [tilespmem:s1+$0x0]  }
.LBB2_32:
0x18f: {  	s2 =	sadd.s32 $0x10, s2  }
0x190: {  	p0 =	slt.u32 s2, $0x3F0  }
.Ltmp15:
0x191: {  	_ = 	snop;
	(pc) =	sbr.rel @p0 .LBB2_32-.Ltmp15, $4  }
0x192: {  	_ = 	snop  }
0x193: {  	s0 =	sadd.s32 $0x10, s0;
	[tilespmem:v2+s17+$0x0] =	vst.idx.msk $0xffff, v0  }
0x194: {  	s1 =	sadd.s32 $0x10, s1;
	v2 =	vadd.s32 v1, v3;
	v1 =	vld [tilespmem:s0+$0x0]  }
0x195: {  	v3 =	vld [tilespmem:s1+$0x0]  }
0x196: {  	_ =	sdelay $0x2  }
0x197: {  	s23 =	sadd.s32 $0x1, s23  }
0x198: {  	p0 =	sne.s32 s23, s30;
	v1 =	vadd.s32 v1, v3  }
.Ltmp16:
0x199: {  	_ = 	snop;
	(pc) =	sbr.rel @p0 .LBB2_1-.Ltmp16, $3  }
0x19a: {  	_ =	sdelay $0x1  }
0x19b: {  	[tilespmem:v2+s17+$0x0] =	vst.idx.msk $0xffff, v0  }
0x19c: {  	[tilespmem:v1+s17+$0x0] =	vst.idx.msk $0xffff, v0  }
0x19d: {  	_ =	sfence.sel $0x180000  }
0x19e: {  	[bflag:$0x0] =	sbarrier.arrive $0xFFFF  }
0x19f: {  	_ =	strace $0x90000047  }
0x1a0: {  	s0 =	stileid.u32;
	[bflag:$0x2] =	sbarrier.arrive $0xFFFF  }
0x1a1: {  	p0 =	sne.s32 s0, $0x0;
	s0 =	rddreg [dreg:$0x5]  }
0x1a2: {  	s0 =	sadd.s32 @!p0 $0x100000, s0  }
0x1a3: {  	[sflag:s0] =	ssyncadd.tile.s32 @!p0 $0x1;
	_ =	shalt  }
.Lfunc_end2:
_tile_overlayer_lowered:
.L_overlay_start_2:
0x1a4: {  	(tag) =	ssettag $0x2  }
0x1a5: {  	s0 =	rddreg [dreg:$0x0];
	s2 =	stileid.u32  }
0x1a6: {  	s1 =	rddreg [dreg:$0x1];
	p0 =	sne.s32 s2, $0x0  }
0x1a7: {  	s3 =	rddreg [dreg:$0x2];
	[bflag:$0x3] =	sbarrier.arrive $0xFFFF;
	s2 =	simm.s32 @!p0 $0x1C01  }
0x1a8: {  	[timem:s3], [sflag:s2] =	dma.local @!p0 [hbm:s0], s1  }
0x1a9: {  	s0 =	simm.s32 @!p0 $0x1  }
0x1aa: {  	_ =	swait.ge @!p0 [sflag:s0], s1  }
0x1ab: {  	s1 =	ssub.s32 @!p0 $0x0, s1;
	[sflag:s0] =	ssyncset.done @!p0 $0x0  }
0x1ac: {  	[sflag:s0] =	ssyncadd.s32 @!p0 s1  }
0x1ad: {  	[bflag:$0x3] =	sbarrier.arrive $0xFFFF  }
0x1ae: {  	_ =	shalt  }

// kernel: sparse-core-data-format-call.cloned.1.call-start
scs
called_computation_lowered:
.L_overlay_start_0:
0x0: {  	s2 =	sld [smem:$0x3FD9]  }
0x1: {  	s3 =	sld [smem:$0x3FFE];
	_ =	sdelay $0x1  }
0x2: {  	s1 =	srdreg.scid  }
0x3: {  	s0 =	sand.u32 $0x1, s1  }
0x4: {  	s15 =	sshll.u32 s0, $0xA;
	s2 =	sadd.s32 s3, s2  }
0x5: {  	s2 =	sadd.s32 s2, s15  }
0x6: {  	[smem:$0x3FC6] =	sst s2  }
0x7: {  	_ = 	snop  }
0x8: {  	s2 =	sld [smem:$0x3FD0];
	_ =	sdelay $0x2  }
0x9: {  	s16 =	simm.s32 $0xA;
	s4 =	simm.s32 $0x10  }
0xa: {  	[smem:s4], [sflag:s16] =	dma.local [hbm:s2], $0x1  }
0xb: {  	_ =	swait.eq [sflag:s16], $0x1  }
0xc: {  	[sflag:s16] =	ssyncset.done $0x0  }
0xd: {  	[sflag:s16] =	ssyncadd.s32 $0xFFFFFFFF  }
0xe: {  	s17 =	sld [smem:$0x10];
	(tm) =	ssettm $0x1  }
0xf: {  	s18 =	sld [smem:$0x3FFB];
	_ =	sdelay $0x3  }
0x10: {  	_ =	strace s18  }
0x11: {  	s3 =	sld [smem:$0x3FFC];
	_ =	sdelay $0x3  }
0x12: {  	_ =	strace s3  }
0x13: {  	s3 =	sld [smem:$0x3FFD];
	_ =	sdelay $0x3  }
0x14: {  	_ =	strace s3  }
0x15: {  	_ =	strace $0x8FFFFFFF  }
0x16: {  	s19 =	sld [smem:$0x3FDB];
	_ =	sdelay $0x1  }
0x17: {  	s20 =	simm.s32 $_scs_section_size  }
0x18: {  	s5 =	simm.s32 $_size__tile_overlayer_lowered;
	s6 =	simm.s32 $_tile_overlayer_lowered  }
0x19: {  	s23 =	simm.s32 $0x1BFF;
	s22 =	sshll.u32 s6, $0x1;
	s3 =	sadd.s32 s20, s19  }
0x1a: {  	s7 =	simm.s32 $0x0;
	s21 =	sshll.u32 s5, $0x1;
	s5 =	sadd.s32 s22, s3  }
0x1b: {  	[timem:s7], [sflag:s23] =	dma.local [hbm:s5], s21  }
0x1c: {  	_ =	swait.ge [sflag:s23], s21  }
0x1d: {  	s4 =	ssub.s32 $0x0, s21;
	[sflag:s23] =	ssyncset.done $0x0  }
0x1e: {  	[sflag:s23] =	ssyncadd.s32 s4;
	_ =	sdelay $0x1  }
0x1f: {  	s24 =	simm.s32 $0x1B8B  }
0x20: {  	_ =	swait.ge [sflag:s24], $0x1  }
0x21: {  	[sflag:s24] =	ssyncset.done $0x0  }
0x22: {  	s26 =	simm.s32 $0x1B8E;
	s25 =	sld [smem:$0x3FFE];
	[sflag:s24] =	ssyncadd.s32 $0xFFFFFFFF  }
0x23: {  	s27 =	simm.s32 $execute0_lowered;
	[smem:$0x3FD2] =	sst s26  }
0x24: {  	s5 =	sshll.u32 s27, $0x1;
	_ =	strace $0x80000049;
	[dreg:$0x1] =	wrdreg $0xFFFFFFFF  }
0x25: {  	s28 =	simm.s32 $_size_execute0_lowered;
	s3 =	sadd.s32 s3, s5;
	[dreg:$0x0] =	wrdreg $0x0  }
0x26: {  	s5 =	sshll.u32 s28, $0x1;
	[dreg:$0x2] =	wrdreg s3  }
0x27: {  	[dreg:$0x3] =	wrdreg s5  }
0x28: {  	[dreg:$0x4] =	wrdreg $0xC0  }
0x29: {  	_ =	task [dreg:s7], $0x5FFFF  }
0x2a: {  	[dreg:$0x1] =	wrdreg $0xFFFFFFFF  }
0x2b: {  	[dreg:$0x0] =	wrdreg $0x60  }
0x2c: {  	[dreg:$0x2] =	wrdreg s25  }
0x2d: {  	[dreg:$0x3] =	wrdreg s17  }
0x2e: {  	[dreg:$0x4] =	wrdreg $0x9  }
0x2f: {  	_ =	task.clear_ibuf [dreg:s7], $0x5FFFF;
	_ =	strace $0x90000049  }
0x30: {  	s29 =	simm.s32 $0x9;
	_ =	strace $0x8000004B  }
0x31: {  	_ =	swait.ge [sflag:s29], $0x1  }
0x32: {  	[sflag:s29] =	ssyncadd.s32 $0xFFFFFFFF  }
0x33: {  	_ =	strace $0x9000004B  }
0x34: {  	_ =	sfence  }
0x35: {  	s30 =	sld [smem:$0x0];
	_ =	sdelay $0x2  }
0x36: {  	s31 =	sshll.u32 s1, $0xD;
	s1 =	sshrl.u32 s1, $0x2  }
0x37: {  	s3 =	sand.u32 $0x4000, s31;
	s1 =	sadd.s32 s1, s30  }
0x38: {  	s0 =	sor.u32 s3, s0;
	s1 =	sshll.u32 s1, $0x11  }
0x39: {  	s0 =	sor.u32 s1, s0  }
0x3a: {  	s0 =	sadd.s32 $0x8F2B, s0  }
0x3b: {  	[sflag:s0] =	ssyncadd.remote.s32 $0x1  }
0x3c: {  	_ =	sfence.sel $0xFFFF  }
0x3d: {  	[dreg:$0x0] =	wrdreg $0xFFFFFFFF;
	(pc) =	sbr.abs _section_cstart, $3  }
0x3e: {  	[dreg:$0x1] =	wrdreg $0xFFFFFFFF  }
0x3f: {  	_ =	task.clear_ibuf [dreg:s7], $0x2FFFF;
	_ =	strace $0x9FFFFFFF  }
0x40: {  	(tm) =	ssettm $0x7FFFFFFF  }
0x41: {  	_ =	shalt  }
tec
execute0_lowered:
.L_overlay_start_1:
0x0: {  	(tag) =	ssettag $0x1  }
0x1: {  	s0 =	srdreg.scid  }
0x2: {  	s1 =	sshll.u32 s0, $0x4  }
0x3: {  	s6 =	rddreg [dreg:$0x0];
	s0 =	stileid.u32;
	s1 =	sand.u32 $0x10, s1  }
0x4: {  	s3 =	rddreg [dreg:$0x1];
	s5 =	simm.s32 $0x1;
	s1 =	sor.u32 s0, s1  }
0x5: {  	s31 =	simm.s32 $0x2;
	s12 =	simm.s32 $0x0;
	s2 =	sshll.u32 s1, $0x7  }
0x6: {  	s8 =	simm.s32 $0x40000;
	s13 =	simm.s32 $0x0;
	s4 =	ssub.s32 $0x8000, s2  }
0x7: {  	s9 =	simm.s32 $0x0;
	s11 =	simm.s32 $0x0;
	s30 =	sand.u32 $0xF80, s4  }
.Ltmp0:
0x8: {  	s6 =	sadd.s32 $0x181800, s6;
	p0 =	sne.s32 s30, $0x0;
	(pc) =	sbr.rel .LBB1_1-.Ltmp0, $4  }
0x9: {  	s1 =	rddreg [dreg:$0x2];
	s7 =	sshrl.u32 s4, $0xC;
	s5 =	simm.s32 @!p0 $0x0  }
0xa: {  	_ =	strace $0x8000004A;
	s4 =	simm.s32 $0x1;
	s5 =	sadd.s32 s5, s7  }
0xb: {  	s10 =	smov.u32 s2;
	[sflag:s4] =	ssyncpa.u1 $0x0;
	s5 =	sshll.u32 s5, $0x3  }
0xc: {  	[sflag:s31] =	ssyncpa.u1 $0x0;
	p0 =	por $0x0, $0x0;
	s7 =	sor.u32 $0x1, s5  }
.LBB1_4:
0xd: {  	s16 =	sshll.u32 s13, $0x3;
	s17 =	sand.u32 $0x78, s13  }
0xe: {  	s30 =	sand.u32 $0x3F000, s13;
	s12 =	sshll.u32 s12, $0x12;
	s16 =	sand.u32 $0x7C00, s16  }
0xf: {  	[tilespmem:s15+$0x810 ss:$0x81] =	vst.msk $0xffff, v2;
	s31 =	sand.u32 $0x7, s13;
	s16 =	sor.u32 s17, s16;
	s17 =	sadd.s32 s3, s30  }
0x10: {  	[tilespmem:s15+$0x1020 ss:$0x81] =	vst.msk $0xffff, v0;
	s13 =	sshll.u32 s31, $0x12;
	s12 =	sadd.s32 s12, s17;
	s16 =	sshrl.u32 s16, $0x3  }
0x11: {  	[tilespmem:s15+$0x0 ss:$0x81] =	vst.msk $0xffff, v1;
	s13 =	sor.u32 $0x400, s13;
	s12 =	sadd.s32 s16, s12  }
0x12: {  	[hbm4b:s12+s13] =	stream.strided.scatter [tilespmem:s14], [sflag:$0x2], $0x2000, s8, s13, $0x20;
	[tilespmem:$0x8080] =	vst v63  }
.LBB1_5:
0x13: {  	s14 =	sadd.s32 $0x1, s9  }
0x14: {  	s12 =	sadd.s32 $0x1000, s10;
	s16 =	smov.u32 s10;
	p2 =	sgt.s32 s14, $0x7  }
0x15: {  	s16 =	smov.u32 @p2 s12  }
0x16: {  	s14 =	simm.s32 @p2 $0x0;
	p2 =	sgt.s32 s16, $0x7FFF  }
0x17: {  	s16 =	smov.u32 @p2 s2;
	p2 =	sne.s32 s11, s7  }
.Ltmp1:
0x18: {  	p1 =	slt.u32 s11, $0x2;
	(pc) =	sbr.rel @!p2 .LBB1_6-.Ltmp1, $4  }
0x19: {  	s15 =	simm.s32 @!p1 $0x2  }
0x1a: {  	s13 =	smov.u32 s10;
	p0 =	por !p0, !p0;
	_ =	swait.ge @!p1 [sflag:s15], $0x2000  }
0x1b: {  	s12 =	smov.u32 s9;
	[sflag:s15] =	ssyncset.done @!p1 $0x0;
	s9 =	smov.u32 s14  }
0x1c: {  	s11 =	sadd.s32 $0x1, s11;
	[sflag:s15] =	ssyncadd.s32 @!p1 $0xFFFFE000;
	s10 =	smov.u32 s16  }
.LBB1_1:
0x1d: {  	p1 =	sge.u32 s11, s5  }
0x1e: {  	s31 =	sadd.s32 $0xFFFFFFFF, s11;
	s14 =	sxor.u32 @!p1 $0xFFFFFFFF, s11  }
0x1f: {  	s15 =	sshll.u32 @!p1 s10, $0x7;
	s16 =	sshll.u32 @!p1 s9, $0x4;
	s17 =	simm.s32 @!p1 $0x400  }
0x20: {  	s14 =	sshll.u32 @!p1 s14, $0xD;
	s16 =	sand.u32 @!p1 $0x70, s16;
	s15 =	sadd.s32 @!p1 s6, s15  }
0x21: {  	s14 =	sand.u32 @!p1 $0x2000, s14;
	s15 =	sadd.s32 @!p1 s16, s15;
	s16 =	simm.s32 @!p1 $0x40  }
0x22: {  	[tilespmem:s14], [sflag:$0x1] =	stream.strided.gather @!p1 [hbm4b:s15+s16], $0x2000, s17, s16, $0x38;
	[tilespmem:$0x8080] =	vst v63  }
0x23: {  	p1 =	sge.u32 s31, s5  }
.Ltmp2:
0x24: {  	_ = 	snop;
	(pc) =	sbr.rel @p1 .LBB1_5-.Ltmp2, $1  }
0x25: {  	_ =	sdelay $0x3  }
0x26: {  	s14 =	simm.s32 $0x1  }
0x27: {  	_ =	swait.ge [sflag:s4], $0x2000;
	s14 =	simm.s32 @!p0 $0x0  }
0x28: {  	[sflag:s4] =	ssyncset.done $0x0;
	s15 =	sshll.u32 s14, $0xD  }
0x29: {  	[sflag:s4] =	ssyncadd.s32 $0xFFFFE000;
	s18 =	sor.u32 $0x20, s15  }
0x2a: {  	s14 =	smul.u32 $0x8100, s14;
	v3 =	vld [tilespmem:s18+$0x10]  }
0x2b: {  	s30 =	sand.u32 $0x1, s11;
	v2 =	vld [tilespmem:s18+$0xFFFFFFF0]  }
0x2c: {  	s15 =	smul.u32 $0x8100, s30;
	s14 =	sshrl.u32 s14, $0x2;
	v0 =	vld [tilespmem:s18+$0x0]  }
0x2d: {  	v1 =	vld [tilespmem:s18+$0xFFFFFFE0];
	s16 =	sor.u32 $0x4000, s14  }
0x2e: {  	s31 =	sshrl.u32 s15, $0x2;
	s15 =	sadd.s32 $0x0, s16  }
0x2f: {  	s17 =	simm.s32 $0x4;
	s18 =	sadd.s32 $0x40, s18;
	s14 =	sor.u32 $0x4000, s31;
	[tilespmem:s15+$0x1830 ss:$0x81] =	vst.msk $0xffff, v3  }
.LBB1_3:
0x30: {  	v3 =	vld [tilespmem:s18+$0x10];
	p1 =	sne.s32 s17, $0x1FC;
	[tilespmem:s15+$0x810 ss:$0x81] =	vst.msk $0xffff, v2;
	s19 =	smov.u32 s17;
	s17 =	sadd.s32 $0x4, s17  }
.Ltmp3:
0x31: {  	v2 =	vld [tilespmem:s18+$0xFFFFFFF0];
	[tilespmem:s15+$0x1020 ss:$0x81] =	vst.msk $0xffff, v0;
	(pc) =	sbr.rel @p1 .LBB1_3-.Ltmp3, $4  }
0x32: {  	v0 =	vld [tilespmem:s18+$0x0];
	[tilespmem:s15+$0x0 ss:$0x81] =	vst.msk $0xffff, v1  }
0x33: {  	s15 =	sshra.s32 s19, $0x2;
	v1 =	vld [tilespmem:s18+$0xFFFFFFE0]  }
0x34: {  	s15 =	sadd.s32 s15, s16  }
0x35: {  	s18 =	sadd.s32 $0x40, s18;
	[tilespmem:s15+$0x1830 ss:$0x81] =	vst.msk $0xffff, v3  }
.Ltmp4:
0x36: {  	_ = 	snop;
	(pc) =	sbr.rel .LBB1_4-.Ltmp4, $1  }
0x37: {  	_ =	sdelay $0x3  }
.LBB1_6:
0x38: {  	_ =	sfence.sel $0x180000  }
0x39: {  	s2 =	simm.s32 $0x1;
	[bflag:$0x0] =	sbarrier.arrive $0xFFFF  }
0x3a: {  	s31 =	simm.s32 $0x2;
	[sflag:s2] =	ssyncpa.u1 $0x1  }
0x3b: {  	[sflag:s31] =	ssyncpa.u1 $0x1  }
0x3c: {  	p0 =	sne.s32 s0, $0x0;
	_ =	strace $0x9000004A  }
0x3d: {  	s0 =	sadd.s32 @!p0 $0x100000, s1;
	[bflag:$0x2] =	sbarrier.arrive $0xFFFF  }
0x3e: {  	[sflag:s0] =	ssyncadd.tile.s32 @!p0 $0x1;
	_ =	shalt  }
.Lfunc_end1:
_tile_overlayer_lowered:
.L_overlay_start_2:
0x3f: {  	(tag) =	ssettag $0x2  }
0x40: {  	s0 =	rddreg [dreg:$0x0];
	s2 =	stileid.u32  }
0x41: {  	s1 =	rddreg [dreg:$0x1];
	p0 =	sne.s32 s2, $0x0  }
0x42: {  	s3 =	rddreg [dreg:$0x2];
	[bflag:$0x3] =	sbarrier.arrive $0xFFFF;
	s2 =	simm.s32 @!p0 $0x1C01  }
0x43: {  	[timem:s3], [sflag:s2] =	dma.local @!p0 [hbm:s0], s1  }
0x44: {  	s0 =	simm.s32 @!p0 $0x1  }
0x45: {  	_ =	swait.ge @!p0 [sflag:s0], s1  }
0x46: {  	s1 =	ssub.s32 @!p0 $0x0, s1;
	[sflag:s0] =	ssyncset.done @!p0 $0x0  }
0x47: {  	[sflag:s0] =	ssyncadd.s32 @!p0 s1  }
0x48: {  	[bflag:$0x3] =	sbarrier.arrive $0xFFFF  }
0x49: {  	_ =	shalt  }

</sc_bundles>
